<compile_context>
chip_gen: v7x
topology: tpu7x:2x2x1
jax: 0.10.2.dev20260603
libtpu: 0.0.44.dev20260713+nightly
codegen_flags: <defaults>
</compile_context>

<pallas_src>
import functools

import jax
import jax.numpy as jnp
from jax import lax
from jax.experimental import pallas as pl
from jax.experimental.pallas import tpu as pltpu
from jax.experimental.pallas import tpu_sc as plsc

NC = 2
NS = 16
NW = NC * NS

CHUNK = 128
L = 16


@functools.cache
def _build_gather(B, V, D):
    assert B % NW == 0
    bpw = B // NW
    assert bpw % CHUNK == 0
    n_chunks = bpw // CHUNK
    assert n_chunks % 2 == 0

    mesh = plsc.VectorSubcoreMesh(core_axis_name="c", subcore_axis_name="s")

    @functools.partial(
        pl.kernel,
        out_type=jax.ShapeDtypeStruct((B, D), jnp.float32),
        mesh=mesh,
        compiler_params=pltpu.CompilerParams(use_tc_tiling_on_sc=True),
        scratch_types=[
            pltpu.VMEM((bpw,), jnp.int32),
            pltpu.VMEM((CHUNK, 2 * D), jnp.float32),
            pltpu.VMEM((CHUNK, 2 * D), jnp.float32),
            pltpu.VMEM((CHUNK, D), jnp.float32),
            pltpu.VMEM((CHUNK, D), jnp.float32),
            pltpu.SemaphoreType.DMA,
            pltpu.SemaphoreType.DMA,
            pltpu.SemaphoreType.DMA,
            pltpu.SemaphoreType.DMA,
        ],
    )
    def gather_kernel(tpad, idx_hbm, out_hbm, idx_v, wide0, wide1,
                      pack0, pack1, gsem0, gsem1, osem0, osem1):
        wid = lax.axis_index("s") * NC + lax.axis_index("c")
        base = wid * bpw
        pltpu.sync_copy(idx_hbm.at[pl.ds(base, bpw)], idx_v)

        wides = (wide0, wide1)
        packs = (pack0, pack1)
        gsems = (gsem0, gsem1)
        osems = (osem0, osem1)

        def gather_start(c, b):
            off = pl.multiple_of(c * CHUNK, CHUNK)
            pltpu.async_copy(
                tpad.at[idx_v.at[pl.ds(off, CHUNK)]], wides[b], gsems[b])

        def gather_wait(c, b):
            off = pl.multiple_of(c * CHUNK, CHUNK)
            pltpu.make_async_copy(
                tpad.at[idx_v.at[pl.ds(off, CHUNK)]], wides[b],
                gsems[b]).wait()

        def out_start(c, b):
            off = pl.multiple_of(c * CHUNK, CHUNK)
            pltpu.async_copy(
                packs[b], out_hbm.at[pl.ds(base + off, CHUNK)], osems[b])

        def out_wait(c, b):
            off = pl.multiple_of(c * CHUNK, CHUNK)
            pltpu.make_async_copy(
                packs[b], out_hbm.at[pl.ds(base + off, CHUNK)],
                osems[b]).wait()

        def repack(b):
            wide, packb = wides[b], packs[b]

            def body(r, carry):
                for r8 in range(8):
                    row = r * 8 + r8
                    for j in range(D // L):
                        packb[row, pl.ds(j * L, L)] = (
                            wide[row, pl.ds(j * L, L)])
                return carry

            lax.fori_loop(0, CHUNK // 8, body, 0)

        gather_start(0, 0)
        gather_start(1, 1)

        def step(p, carry):
            for b in range(2):
                c = 2 * p + b
                gather_wait(c, b)

                @pl.when(c >= 2)
                def _():
                    out_wait(c - 2, b)

                repack(b)
                out_start(c, b)

                @pl.when(c + 2 < n_chunks)
                def _():
                    gather_start(c + 2, b)

            return carry

        lax.fori_loop(0, n_chunks // 2, step, 0)

        for tail in range(max(n_chunks - 2, 0), n_chunks):
            out_wait(tail, tail % 2)

    return gather_kernel


def kernel(x, table):
    B0, S = x.shape
    V, D = table.shape
    B = B0 * S
    flat_idx = x.reshape(B).astype(jnp.int32)
    tpad = jnp.pad(table, ((0, 0), (0, D)))
    out = _build_gather(B, V, D)(tpad, flat_idx)
    return out.reshape(B0, S, D)

# --- scband reference (transcript-rebuilt; emitter-appended) ---
"""Pipeline reference for scband-classic-word-embedding-42245298323683 (READ-ONLY COPY).

The authoritative reference and input builder live on the scoring server;
editing this copy changes nothing except your own understanding.
"""

import jax, jax.numpy as jnp
import numpy as np

VOCAB = 1000000
EMBED = 64
PAD_IDX = 0

def setup_inputs(seed: int = 0) -> dict:
    key = jax.random.key(seed)
    k1, k2 = jax.random.split(key)
    x = jax.random.randint(k1, (4096, 200), 0, VOCAB, dtype=jnp.int64 if jax.config.jax_enable_x64 else jnp.int32)
    table = jax.random.normal(k2, (VOCAB, EMBED), dtype=jnp.float32)
    # nn.Embedding with padding_idx initializes the padding row to zeros
    table = table.at[PAD_IDX].set(0.0)
    return {"x": x, "table": table}

def reference(x, table):
    # Faithful to nn.Embedding(vocab, n_embd, padding_idx=PAD_IDX).forward(x):
    # plain row gather; padding row is zeros by construction.
    return jnp.take(table, x, axis=0)

if __name__ == "__main__":
    import jax
    _d = setup_inputs()
    print(jax.jit(kernel)(*tuple(_d.values())))

</pallas_src>

<mosaic_0001>
#map = affine_map<(d0, d1) -> (0, 0)>
#map1 = affine_map<(d0, d1) -> (0)>
module attributes {stable_mosaic.version = 14 : i64} {
  func.func @gather_kernel(%arg0: i32, %arg1: i32, %arg2: memref<1000000x128xf32, #tpu.memory_space<hbm>>, %arg3: memref<819200xi32, #tpu.memory_space<hbm>>, %arg4: memref<819200x64xf32, #tpu.memory_space<hbm>>, %arg5: memref<25600xi32, #tpu.memory_space<vmem>>, %arg6: memref<128x128xf32, #tpu.memory_space<vmem>>, %arg7: memref<128x128xf32, #tpu.memory_space<vmem>>, %arg8: memref<128x64xf32, #tpu.memory_space<vmem>>, %arg9: memref<128x64xf32, #tpu.memory_space<vmem>>, %arg10: memref<!tpu.dma_semaphore, #tpu.memory_space<semaphore_mem>>, %arg11: memref<!tpu.dma_semaphore, #tpu.memory_space<semaphore_mem>>, %arg12: memref<!tpu.dma_semaphore, #tpu.memory_space<semaphore_mem>>, %arg13: memref<!tpu.dma_semaphore, #tpu.memory_space<semaphore_mem>>) attributes {dimension_semantics = [#tpu.dimension_semantics<core_parallel>, #tpu.dimension_semantics<subcore_parallel>], iteration_bounds = array<i64: 2, 16>, scalar_prefetch = 0 : i64, scratch_operands = 9 : i64, tpu.core_type = #tpu.core_type<sc_vector_subcore>, window_params = [{transform_indices = #map}, {transform_indices = #map1}, {transform_indices = #map}]} {
    %mul3A = arith.constant 2 : i32
    %mul3A_0 = arith.muli %arg1, %mul3A : i32
    %add3A = arith.addi %mul3A_0, %arg0 : i32
    %mul3A_1 = arith.constant 25600 : i32
    %mul3A_2 = arith.muli %add3A, %mul3A_1 : i32
    "tpu.region"() ({
      %run_scoped3A = tpu.sem_alloc : memref<!tpu.dma_semaphore, #tpu.memory_space<semaphore_mem>>
      %dma_start3A_31 = tpu.memref_slice %arg3[%mul3A_2] : memref<819200xi32, #tpu.memory_space<hbm>> -> memref<25600xi32, #tpu.memory_space<hbm>>
      %dma_start3A_32 = tpu.memref_slice %arg3[%mul3A_2] : memref<819200xi32, #tpu.memory_space<hbm>> -> memref<25600xi32, #tpu.memory_space<hbm>>
      tpu.enqueue_dma source(%dma_start3A_32 : memref<25600xi32, #tpu.memory_space<hbm>>) target(%arg5 : memref<25600xi32, #tpu.memory_space<vmem>>) target_semaphore(%run_scoped3A : memref<!tpu.dma_semaphore, #tpu.memory_space<semaphore_mem>>)
      %dma_wait3A_33 = tpu.memref_slice %arg3[%mul3A_2] : memref<819200xi32, #tpu.memory_space<hbm>> -> memref<25600xi32, #tpu.memory_space<hbm>>
      %dma_wait3A_34 = tpu.memref_slice %arg3[%mul3A_2] : memref<819200xi32, #tpu.memory_space<hbm>> -> memref<25600xi32, #tpu.memory_space<hbm>>
      tpu.wait_dma2 semaphore(%run_scoped3A : memref<!tpu.dma_semaphore, #tpu.memory_space<semaphore_mem>>) src(%dma_wait3A_34 : memref<25600xi32, #tpu.memory_space<hbm>>) dst(%arg5 : memref<25600xi32, #tpu.memory_space<vmem>>)
      tpu.yield
    }) : () -> ()
    %multiple_of3A = arith.constant 0 : i32
    %multiple_of3A_3 = tpu.assume_multiple %multiple_of3A, 128 : i32
    %dma_start3A = tpu.memref_slice %arg5[%multiple_of3A_3] : memref<25600xi32, #tpu.memory_space<vmem>> -> memref<128xi32, #tpu.memory_space<vmem>>
    %dma_start3A_4 = arith.constant 0 : i32
    %dma_start3A_5 = arith.constant 0 : i32
    %dma_start3A_6 = tpu.memref_slice %arg2[%dma_start3A_4, %dma_start3A_5] : memref<1000000x128xf32, #tpu.memory_space<hbm>> -> memref<1000000x128xf32, #tpu.memory_space<hbm>>
    tpu.enqueue_indirect_dma source(%dma_start3A_6 : memref<1000000x128xf32, #tpu.memory_space<hbm>>) target(%arg6 : memref<128x128xf32, #tpu.memory_space<vmem>>) offsets(%dma_start3A : memref<128xi32, #tpu.memory_space<vmem>>) semaphore(%arg10 : memref<!tpu.dma_semaphore, #tpu.memory_space<semaphore_mem>>)
    %multiple_of3A_7 = arith.constant 128 : i32
    %multiple_of3A_8 = tpu.assume_multiple %multiple_of3A_7, 128 : i32
    %dma_start3A_9 = tpu.memref_slice %arg5[%multiple_of3A_8] : memref<25600xi32, #tpu.memory_space<vmem>> -> memref<128xi32, #tpu.memory_space<vmem>>
    %dma_start3A_10 = arith.constant 0 : i32
    %dma_start3A_11 = arith.constant 0 : i32
    %dma_start3A_12 = tpu.memref_slice %arg2[%dma_start3A_10, %dma_start3A_11] : memref<1000000x128xf32, #tpu.memory_space<hbm>> -> memref<1000000x128xf32, #tpu.memory_space<hbm>>
    tpu.enqueue_indirect_dma source(%dma_start3A_12 : memref<1000000x128xf32, #tpu.memory_space<hbm>>) target(%arg7 : memref<128x128xf32, #tpu.memory_space<vmem>>) offsets(%dma_start3A_9 : memref<128xi32, #tpu.memory_space<vmem>>) semaphore(%arg11 : memref<!tpu.dma_semaphore, #tpu.memory_space<semaphore_mem>>)
    %scan3A = arith.constant 0 : i32
    %scan3A_13 = arith.constant 0 : i32
    %scan3A_14 = arith.constant 100 : i32
    %scan3A_15 = arith.addi %scan3A_13, %scan3A_14 : i32
    %scan3A_16 = arith.constant 1 : i32
    scf.for %scan3A_31 = %scan3A_13 to %scan3A_15 step %scan3A_16  : i32 {
      %mul3A_32 = arith.constant 2 : i32
      %mul3A_33 = arith.muli %mul3A_32, %scan3A_31 : i32
      %add3A_34 = arith.constant 0 : i32
      %add3A_35 = arith.addi %mul3A_33, %add3A_34 : i32
      %mul3A_36 = arith.constant 128 : i32
      %mul3A_37 = arith.muli %add3A_35, %mul3A_36 : i32
      %multiple_of3A_38 = tpu.assume_multiple %mul3A_37, 128 : i32
      %dma_wait3A_39 = tpu.memref_slice %arg5[%multiple_of3A_38] : memref<25600xi32, #tpu.memory_space<vmem>> -> memref<128xi32, #tpu.memory_space<vmem>>
      %dma_wait3A_40 = arith.constant 0 : i32
      %dma_wait3A_41 = arith.constant 0 : i32
      %dma_wait3A_42 = tpu.memref_slice %arg2[%dma_wait3A_40, %dma_wait3A_41] : memref<1000000x128xf32, #tpu.memory_space<hbm>> -> memref<1000000x128xf32, #tpu.memory_space<hbm>>
      tpu.wait_indirect_dma semaphore(%arg10 : memref<!tpu.dma_semaphore, #tpu.memory_space<semaphore_mem>>) src(%dma_wait3A_42 : memref<1000000x128xf32, #tpu.memory_space<hbm>>) dst(%arg6 : memref<128x128xf32, #tpu.memory_space<vmem>>)
      %ge3A = arith.constant 2 : i32
      %ge3A_43 = arith.cmpi sge, %add3A_35, %ge3A : i32
      %convert_element_type3A = arith.extui %ge3A_43 : i1 to i32
      %cond3A = arith.constant 0 : i32
      %cond3A_44 = arith.cmpi ne, %convert_element_type3A, %cond3A : i32
      scf.if %cond3A_44 {
        %sub3A = arith.constant 2 : i32
        %sub3A_102 = arith.subi %add3A_35, %sub3A : i32
        %mul3A_103 = arith.constant 128 : i32
        %mul3A_104 = arith.muli %sub3A_102, %mul3A_103 : i32
        %multiple_of3A_105 = tpu.assume_multiple %mul3A_104, 128 : i32
        %add3A_106 = arith.addi %mul3A_2, %multiple_of3A_105 : i32
        %dma_wait3A_107 = arith.constant 0 : i32
        %dma_wait3A_108 = tpu.memref_slice %arg4[%add3A_106, %dma_wait3A_107] : memref<819200x64xf32, #tpu.memory_space<hbm>> -> memref<128x64xf32, #tpu.memory_space<hbm>>
        %dma_wait3A_109 = arith.constant 0 : i32
        %dma_wait3A_110 = tpu.memref_slice %arg4[%add3A_106, %dma_wait3A_109] : memref<819200x64xf32, #tpu.memory_space<hbm>> -> memref<128x64xf32, #tpu.memory_space<hbm>>
        tpu.wait_dma2 semaphore(%arg12 : memref<!tpu.dma_semaphore, #tpu.memory_space<semaphore_mem>>) src(%arg8 : memref<128x64xf32, #tpu.memory_space<vmem>>) dst(%dma_wait3A_110 : memref<128x64xf32, #tpu.memory_space<hbm>>)
      } else {
      }
      %scan3A_45 = arith.constant 0 : i32
      %scan3A_46 = arith.constant 0 : i32
      %scan3A_47 = arith.constant 16 : i32
      %scan3A_48 = arith.addi %scan3A_46, %scan3A_47 : i32
      %scan3A_49 = arith.constant 1 : i32
      scf.for %scan3A_102 = %scan3A_46 to %scan3A_48 step %scan3A_49  : i32 {
        %mul3A_103 = arith.constant 8 : i32
        %mul3A_104 = arith.muli %scan3A_102, %mul3A_103 : i32
        %add3A_105 = arith.constant 0 : i32
        %add3A_106 = arith.addi %mul3A_104, %add3A_105 : i32
        %get3A = arith.index_cast %add3A_106 : i32 to index
        %get3A_107 = arith.constant 0 : index
        %get3A_108 = tpu.vector_load %arg6[%get3A, %get3A_107] {strides = array<i32>} : memref<128x128xf32, #tpu.memory_space<vmem>>, vector<1x16xf32>,
        %get3A_109 = vector.shape_cast %get3A_108 : vector<1x16xf32> to vector<16xf32>
        %swap3A = arith.index_cast %add3A_106 : i32 to index
        %swap3A_110 = arith.constant 0 : index
        %swap3A_111 = tpu.vector_load %arg8[%swap3A, %swap3A_110] {strides = array<i32>} : memref<128x64xf32, #tpu.memory_space<vmem>>, vector<1x16xf32>,
        %swap3A_112 = vector.shape_cast %swap3A_111 : vector<1x16xf32> to vector<16xf32>
        %swap3A_113 = vector.shape_cast %get3A_109 : vector<16xf32> to vector<1x16xf32>
        tpu.vector_store %arg8[%swap3A, %swap3A_110], %swap3A_113 {strides = array<i32>} : memref<128x64xf32, #tpu.memory_space<vmem>>, vector<1x16xf32>,
        %get3A_114 = arith.index_cast %add3A_106 : i32 to index
        %get3A_115 = arith.constant 16 : index
        %get3A_116 = tpu.vector_load %arg6[%get3A_114, %get3A_115] {strides = array<i32>} : memref<128x128xf32, #tpu.memory_space<vmem>>, vector<1x16xf32>,
        %get3A_117 = vector.shape_cast %get3A_116 : vector<1x16xf32> to vector<16xf32>
        %swap3A_118 = arith.index_cast %add3A_106 : i32 to index
        %swap3A_119 = arith.constant 16 : index
        %swap3A_120 = tpu.vector_load %arg8[%swap3A_118, %swap3A_119] {strides = array<i32>} : memref<128x64xf32, #tpu.memory_space<vmem>>, vector<1x16xf32>,
        %swap3A_121 = vector.shape_cast %swap3A_120 : vector<1x16xf32> to vector<16xf32>
        %swap3A_122 = vector.shape_cast %get3A_117 : vector<16xf32> to vector<1x16xf32>
        tpu.vector_store %arg8[%swap3A_118, %swap3A_119], %swap3A_122 {strides = array<i32>} : memref<128x64xf32, #tpu.memory_space<vmem>>, vector<1x16xf32>,
        %get3A_123 = arith.index_cast %add3A_106 : i32 to index
        %get3A_124 = arith.constant 32 : index
        %get3A_125 = tpu.vector_load %arg6[%get3A_123, %get3A_124] {strides = array<i32>} : memref<128x128xf32, #tpu.memory_space<vmem>>, vector<1x16xf32>,
        %get3A_126 = vector.shape_cast %get3A_125 : vector<1x16xf32> to vector<16xf32>
        %swap3A_127 = arith.index_cast %add3A_106 : i32 to index
        %swap3A_128 = arith.constant 32 : index
        %swap3A_129 = tpu.vector_load %arg8[%swap3A_127, %swap3A_128] {strides = array<i32>} : memref<128x64xf32, #tpu.memory_space<vmem>>, vector<1x16xf32>,
        %swap3A_130 = vector.shape_cast %swap3A_129 : vector<1x16xf32> to vector<16xf32>
        %swap3A_131 = vector.shape_cast %get3A_126 : vector<16xf32> to vector<1x16xf32>
        tpu.vector_store %arg8[%swap3A_127, %swap3A_128], %swap3A_131 {strides = array<i32>} : memref<128x64xf32, #tpu.memory_space<vmem>>, vector<1x16xf32>,
        %get3A_132 = arith.index_cast %add3A_106 : i32 to index
        %get3A_133 = arith.constant 48 : index
        %get3A_134 = tpu.vector_load %arg6[%get3A_132, %get3A_133] {strides = array<i32>} : memref<128x128xf32, #tpu.memory_space<vmem>>, vector<1x16xf32>,
        %get3A_135 = vector.shape_cast %get3A_134 : vector<1x16xf32> to vector<16xf32>
        %swap3A_136 = arith.index_cast %add3A_106 : i32 to index
        %swap3A_137 = arith.constant 48 : index
        %swap3A_138 = tpu.vector_load %arg8[%swap3A_136, %swap3A_137] {strides = array<i32>} : memref<128x64xf32, #tpu.memory_space<vmem>>, vector<1x16xf32>,
        %swap3A_139 = vector.shape_cast %swap3A_138 : vector<1x16xf32> to vector<16xf32>
        %swap3A_140 = vector.shape_cast %get3A_135 : vector<16xf32> to vector<1x16xf32>
        tpu.vector_store %arg8[%swap3A_136, %swap3A_137], %swap3A_140 {strides = array<i32>} : memref<128x64xf32, #tpu.memory_space<vmem>>, vector<1x16xf32>,
        %mul3A_141 = arith.constant 8 : i32
        %mul3A_142 = arith.muli %scan3A_102, %mul3A_141 : i32
        %add3A_143 = arith.constant 1 : i32
        %add3A_144 = arith.addi %mul3A_142, %add3A_143 : i32
        %get3A_145 = arith.index_cast %add3A_144 : i32 to index
        %get3A_146 = arith.constant 0 : index
        %get3A_147 = tpu.vector_load %arg6[%get3A_145, %get3A_146] {strides = array<i32>} : memref<128x128xf32, #tpu.memory_space<vmem>>, vector<1x16xf32>,
        %get3A_148 = vector.shape_cast %get3A_147 : vector<1x16xf32> to vector<16xf32>
        %swap3A_149 = arith.index_cast %add3A_144 : i32 to index
        %swap3A_150 = arith.constant 0 : index
        %swap3A_151 = tpu.vector_load %arg8[%swap3A_149, %swap3A_150] {strides = array<i32>} : memref<128x64xf32, #tpu.memory_space<vmem>>, vector<1x16xf32>,
        %swap3A_152 = vector.shape_cast %swap3A_151 : vector<1x16xf32> to vector<16xf32>
        %swap3A_153 = vector.shape_cast %get3A_148 : vector<16xf32> to vector<1x16xf32>
        tpu.vector_store %arg8[%swap3A_149, %swap3A_150], %swap3A_153 {strides = array<i32>} : memref<128x64xf32, #tpu.memory_space<vmem>>, vector<1x16xf32>,
        %get3A_154 = arith.index_cast %add3A_144 : i32 to index
        %get3A_155 = arith.constant 16 : index
        %get3A_156 = tpu.vector_load %arg6[%get3A_154, %get3A_155] {strides = array<i32>} : memref<128x128xf32, #tpu.memory_space<vmem>>, vector<1x16xf32>,
        %get3A_157 = vector.shape_cast %get3A_156 : vector<1x16xf32> to vector<16xf32>
        %swap3A_158 = arith.index_cast %add3A_144 : i32 to index
        %swap3A_159 = arith.constant 16 : index
        %swap3A_160 = tpu.vector_load %arg8[%swap3A_158, %swap3A_159] {strides = array<i32>} : memref<128x64xf32, #tpu.memory_space<vmem>>, vector<1x16xf32>,
        %swap3A_161 = vector.shape_cast %swap3A_160 : vector<1x16xf32> to vector<16xf32>
        %swap3A_162 = vector.shape_cast %get3A_157 : vector<16xf32> to vector<1x16xf32>
        tpu.vector_store %arg8[%swap3A_158, %swap3A_159], %swap3A_162 {strides = array<i32>} : memref<128x64xf32, #tpu.memory_space<vmem>>, vector<1x16xf32>,
        %get3A_163 = arith.index_cast %add3A_144 : i32 to index
        %get3A_164 = arith.constant 32 : index
        %get3A_165 = tpu.vector_load %arg6[%get3A_163, %get3A_164] {strides = array<i32>} : memref<128x128xf32, #tpu.memory_space<vmem>>, vector<1x16xf32>,
        %get3A_166 = vector.shape_cast %get3A_165 : vector<1x16xf32> to vector<16xf32>
        %swap3A_167 = arith.index_cast %add3A_144 : i32 to index
        %swap3A_168 = arith.constant 32 : index
        %swap3A_169 = tpu.vector_load %arg8[%swap3A_167, %swap3A_168] {strides = array<i32>} : memref<128x64xf32, #tpu.memory_space<vmem>>, vector<1x16xf32>,
        %swap3A_170 = vector.shape_cast %swap3A_169 : vector<1x16xf32> to vector<16xf32>
        %swap3A_171 = vector.shape_cast %get3A_166 : vector<16xf32> to vector<1x16xf32>
        tpu.vector_store %arg8[%swap3A_167, %swap3A_168], %swap3A_171 {strides = array<i32>} : memref<128x64xf32, #tpu.memory_space<vmem>>, vector<1x16xf32>,
        %get3A_172 = arith.index_cast %add3A_144 : i32 to index
        %get3A_173 = arith.constant 48 : index
        %get3A_174 = tpu.vector_load %arg6[%get3A_172, %get3A_173] {strides = array<i32>} : memref<128x128xf32, #tpu.memory_space<vmem>>, vector<1x16xf32>,
        %get3A_175 = vector.shape_cast %get3A_174 : vector<1x16xf32> to vector<16xf32>
        %swap3A_176 = arith.index_cast %add3A_144 : i32 to index
        %swap3A_177 = arith.constant 48 : index
        %swap3A_178 = tpu.vector_load %arg8[%swap3A_176, %swap3A_177] {strides = array<i32>} : memref<128x64xf32, #tpu.memory_space<vmem>>, vector<1x16xf32>,
        %swap3A_179 = vector.shape_cast %swap3A_178 : vector<1x16xf32> to vector<16xf32>
        %swap3A_180 = vector.shape_cast %get3A_175 : vector<16xf32> to vector<1x16xf32>
        tpu.vector_store %arg8[%swap3A_176, %swap3A_177], %swap3A_180 {strides = array<i32>} : memref<128x64xf32, #tpu.memory_space<vmem>>, vector<1x16xf32>,
        %mul3A_181 = arith.constant 8 : i32
        %mul3A_182 = arith.muli %scan3A_102, %mul3A_181 : i32
        %add3A_183 = arith.constant 2 : i32
        %add3A_184 = arith.addi %mul3A_182, %add3A_183 : i32
        %get3A_185 = arith.index_cast %add3A_184 : i32 to index
        %get3A_186 = arith.constant 0 : index
        %get3A_187 = tpu.vector_load %arg6[%get3A_185, %get3A_186] {strides = array<i32>} : memref<128x128xf32, #tpu.memory_space<vmem>>, vector<1x16xf32>,
        %get3A_188 = vector.shape_cast %get3A_187 : vector<1x16xf32> to vector<16xf32>
        %swap3A_189 = arith.index_cast %add3A_184 : i32 to index
        %swap3A_190 = arith.constant 0 : index
        %swap3A_191 = tpu.vector_load %arg8[%swap3A_189, %swap3A_190] {strides = array<i32>} : memref<128x64xf32, #tpu.memory_space<vmem>>, vector<1x16xf32>,
        %swap3A_192 = vector.shape_cast %swap3A_191 : vector<1x16xf32> to vector<16xf32>
        %swap3A_193 = vector.shape_cast %get3A_188 : vector<16xf32> to vector<1x16xf32>
        tpu.vector_store %arg8[%swap3A_189, %swap3A_190], %swap3A_193 {strides = array<i32>} : memref<128x64xf32, #tpu.memory_space<vmem>>, vector<1x16xf32>,
        %get3A_194 = arith.index_cast %add3A_184 : i32 to index
        %get3A_195 = arith.constant 16 : index
        %get3A_196 = tpu.vector_load %arg6[%get3A_194, %get3A_195] {strides = array<i32>} : memref<128x128xf32, #tpu.memory_space<vmem>>, vector<1x16xf32>,
        %get3A_197 = vector.shape_cast %get3A_196 : vector<1x16xf32> to vector<16xf32>
        %swap3A_198 = arith.index_cast %add3A_184 : i32 to index
        %swap3A_199 = arith.constant 16 : index
        %swap3A_200 = tpu.vector_load %arg8[%swap3A_198, %swap3A_199] {strides = array<i32>} : memref<128x64xf32, #tpu.memory_space<vmem>>, vector<1x16xf32>,
        %swap3A_201 = vector.shape_cast %swap3A_200 : vector<1x16xf32> to vector<16xf32>
        %swap3A_202 = vector.shape_cast %get3A_197 : vector<16xf32> to vector<1x16xf32>
        tpu.vector_store %arg8[%swap3A_198, %swap3A_199], %swap3A_202 {strides = array<i32>} : memref<128x64xf32, #tpu.memory_space<vmem>>, vector<1x16xf32>,
        %get3A_203 = arith.index_cast %add3A_184 : i32 to index
        %get3A_204 = arith.constant 32 : index
        %get3A_205 = tpu.vector_load %arg6[%get3A_203, %get3A_204] {strides = array<i32>} : memref<128x128xf32, #tpu.memory_space<vmem>>, vector<1x16xf32>,
        %get3A_206 = vector.shape_cast %get3A_205 : vector<1x16xf32> to vector<16xf32>
        %swap3A_207 = arith.index_cast %add3A_184 : i32 to index
        %swap3A_208 = arith.constant 32 : index
        %swap3A_209 = tpu.vector_load %arg8[%swap3A_207, %swap3A_208] {strides = array<i32>} : memref<128x64xf32, #tpu.memory_space<vmem>>, vector<1x16xf32>,
        %swap3A_210 = vector.shape_cast %swap3A_209 : vector<1x16xf32> to vector<16xf32>
        %swap3A_211 = vector.shape_cast %get3A_206 : vector<16xf32> to vector<1x16xf32>
        tpu.vector_store %arg8[%swap3A_207, %swap3A_208], %swap3A_211 {strides = array<i32>} : memref<128x64xf32, #tpu.memory_space<vmem>>, vector<1x16xf32>,
        %get3A_212 = arith.index_cast %add3A_184 : i32 to index
        %get3A_213 = arith.constant 48 : index
        %get3A_214 = tpu.vector_load %arg6[%get3A_212, %get3A_213] {strides = array<i32>} : memref<128x128xf32, #tpu.memory_space<vmem>>, vector<1x16xf32>,
        %get3A_215 = vector.shape_cast %get3A_214 : vector<1x16xf32> to vector<16xf32>
        %swap3A_216 = arith.index_cast %add3A_184 : i32 to index
        %swap3A_217 = arith.constant 48 : index
        %swap3A_218 = tpu.vector_load %arg8[%swap3A_216, %swap3A_217] {strides = array<i32>} : memref<128x64xf32, #tpu.memory_space<vmem>>, vector<1x16xf32>,
        %swap3A_219 = vector.shape_cast %swap3A_218 : vector<1x16xf32> to vector<16xf32>
        %swap3A_220 = vector.shape_cast %get3A_215 : vector<16xf32> to vector<1x16xf32>
        tpu.vector_store %arg8[%swap3A_216, %swap3A_217], %swap3A_220 {strides = array<i32>} : memref<128x64xf32, #tpu.memory_space<vmem>>, vector<1x16xf32>,
        %mul3A_221 = arith.constant 8 : i32
        %mul3A_222 = arith.muli %scan3A_102, %mul3A_221 : i32
        %add3A_223 = arith.constant 3 : i32
        %add3A_224 = arith.addi %mul3A_222, %add3A_223 : i32
        %get3A_225 = arith.index_cast %add3A_224 : i32 to index
        %get3A_226 = arith.constant 0 : index
        %get3A_227 = tpu.vector_load %arg6[%get3A_225, %get3A_226] {strides = array<i32>} : memref<128x128xf32, #tpu.memory_space<vmem>>, vector<1x16xf32>,
        %get3A_228 = vector.shape_cast %get3A_227 : vector<1x16xf32> to vector<16xf32>
        %swap3A_229 = arith.index_cast %add3A_224 : i32 to index
        %swap3A_230 = arith.constant 0 : index
        %swap3A_231 = tpu.vector_load %arg8[%swap3A_229, %swap3A_230] {strides = array<i32>} : memref<128x64xf32, #tpu.memory_space<vmem>>, vector<1x16xf32>,
        %swap3A_232 = vector.shape_cast %swap3A_231 : vector<1x16xf32> to vector<16xf32>
        %swap3A_233 = vector.shape_cast %get3A_228 : vector<16xf32> to vector<1x16xf32>
        tpu.vector_store %arg8[%swap3A_229, %swap3A_230], %swap3A_233 {strides = array<i32>} : memref<128x64xf32, #tpu.memory_space<vmem>>, vector<1x16xf32>,
        %get3A_234 = arith.index_cast %add3A_224 : i32 to index
        %get3A_235 = arith.constant 16 : index
        %get3A_236 = tpu.vector_load %arg6[%get3A_234, %get3A_235] {strides = array<i32>} : memref<128x128xf32, #tpu.memory_space<vmem>>, vector<1x16xf32>,
        %get3A_237 = vector.shape_cast %get3A_236 : vector<1x16xf32> to vector<16xf32>
        %swap3A_238 = arith.index_cast %add3A_224 : i32 to index
        %swap3A_239 = arith.constant 16 : index
        %swap3A_240 = tpu.vector_load %arg8[%swap3A_238, %swap3A_239] {strides = array<i32>} : memref<128x64xf32, #tpu.memory_space<vmem>>, vector<1x16xf32>,
        %swap3A_241 = vector.shape_cast %swap3A_240 : vector<1x16xf32> to vector<16xf32>
        %swap3A_242 = vector.shape_cast %get3A_237 : vector<16xf32> to vector<1x16xf32>
        tpu.vector_store %arg8[%swap3A_238, %swap3A_239], %swap3A_242 {strides = array<i32>} : memref<128x64xf32, #tpu.memory_space<vmem>>, vector<1x16xf32>,
        %get3A_243 = arith.index_cast %add3A_224 : i32 to index
        %get3A_244 = arith.constant 32 : index
        %get3A_245 = tpu.vector_load %arg6[%get3A_243, %get3A_244] {strides = array<i32>} : memref<128x128xf32, #tpu.memory_space<vmem>>, vector<1x16xf32>,
        %get3A_246 = vector.shape_cast %get3A_245 : vector<1x16xf32> to vector<16xf32>
        %swap3A_247 = arith.index_cast %add3A_224 : i32 to index
        %swap3A_248 = arith.constant 32 : index
        %swap3A_249 = tpu.vector_load %arg8[%swap3A_247, %swap3A_248] {strides = array<i32>} : memref<128x64xf32, #tpu.memory_space<vmem>>, vector<1x16xf32>,
        %swap3A_250 = vector.shape_cast %swap3A_249 : vector<1x16xf32> to vector<16xf32>
        %swap3A_251 = vector.shape_cast %get3A_246 : vector<16xf32> to vector<1x16xf32>
        tpu.vector_store %arg8[%swap3A_247, %swap3A_248], %swap3A_251 {strides = array<i32>} : memref<128x64xf32, #tpu.memory_space<vmem>>, vector<1x16xf32>,
        %get3A_252 = arith.index_cast %add3A_224 : i32 to index
        %get3A_253 = arith.constant 48 : index
        %get3A_254 = tpu.vector_load %arg6[%get3A_252, %get3A_253] {strides = array<i32>} : memref<128x128xf32, #tpu.memory_space<vmem>>, vector<1x16xf32>,
        %get3A_255 = vector.shape_cast %get3A_254 : vector<1x16xf32> to vector<16xf32>
        %swap3A_256 = arith.index_cast %add3A_224 : i32 to index
        %swap3A_257 = arith.constant 48 : index
        %swap3A_258 = tpu.vector_load %arg8[%swap3A_256, %swap3A_257] {strides = array<i32>} : memref<128x64xf32, #tpu.memory_space<vmem>>, vector<1x16xf32>,
        %swap3A_259 = vector.shape_cast %swap3A_258 : vector<1x16xf32> to vector<16xf32>
        %swap3A_260 = vector.shape_cast %get3A_255 : vector<16xf32> to vector<1x16xf32>
        tpu.vector_store %arg8[%swap3A_256, %swap3A_257], %swap3A_260 {strides = array<i32>} : memref<128x64xf32, #tpu.memory_space<vmem>>, vector<1x16xf32>,
        %mul3A_261 = arith.constant 8 : i32
        %mul3A_262 = arith.muli %scan3A_102, %mul3A_261 : i32
        %add3A_263 = arith.constant 4 : i32
        %add3A_264 = arith.addi %mul3A_262, %add3A_263 : i32
        %get3A_265 = arith.index_cast %add3A_264 : i32 to index
        %get3A_266 = arith.constant 0 : index
        %get3A_267 = tpu.vector_load %arg6[%get3A_265, %get3A_266] {strides = array<i32>} : memref<128x128xf32, #tpu.memory_space<vmem>>, vector<1x16xf32>,
        %get3A_268 = vector.shape_cast %get3A_267 : vector<1x16xf32> to vector<16xf32>
        %swap3A_269 = arith.index_cast %add3A_264 : i32 to index
        %swap3A_270 = arith.constant 0 : index
        %swap3A_271 = tpu.vector_load %arg8[%swap3A_269, %swap3A_270] {strides = array<i32>} : memref<128x64xf32, #tpu.memory_space<vmem>>, vector<1x16xf32>,
        %swap3A_272 = vector.shape_cast %swap3A_271 : vector<1x16xf32> to vector<16xf32>
        %swap3A_273 = vector.shape_cast %get3A_268 : vector<16xf32> to vector<1x16xf32>
        tpu.vector_store %arg8[%swap3A_269, %swap3A_270], %swap3A_273 {strides = array<i32>} : memref<128x64xf32, #tpu.memory_space<vmem>>, vector<1x16xf32>,
        %get3A_274 = arith.index_cast %add3A_264 : i32 to index
        %get3A_275 = arith.constant 16 : index
        %get3A_276 = tpu.vector_load %arg6[%get3A_274, %get3A_275] {strides = array<i32>} : memref<128x128xf32, #tpu.memory_space<vmem>>, vector<1x16xf32>,
        %get3A_277 = vector.shape_cast %get3A_276 : vector<1x16xf32> to vector<16xf32>
        %swap3A_278 = arith.index_cast %add3A_264 : i32 to index
        %swap3A_279 = arith.constant 16 : index
        %swap3A_280 = tpu.vector_load %arg8[%swap3A_278, %swap3A_279] {strides = array<i32>} : memref<128x64xf32, #tpu.memory_space<vmem>>, vector<1x16xf32>,
        %swap3A_281 = vector.shape_cast %swap3A_280 : vector<1x16xf32> to vector<16xf32>
        %swap3A_282 = vector.shape_cast %get3A_277 : vector<16xf32> to vector<1x16xf32>
        tpu.vector_store %arg8[%swap3A_278, %swap3A_279], %swap3A_282 {strides = array<i32>} : memref<128x64xf32, #tpu.memory_space<vmem>>, vector<1x16xf32>,
        %get3A_283 = arith.index_cast %add3A_264 : i32 to index
        %get3A_284 = arith.constant 32 : index
        %get3A_285 = tpu.vector_load %arg6[%get3A_283, %get3A_284] {strides = array<i32>} : memref<128x128xf32, #tpu.memory_space<vmem>>, vector<1x16xf32>,
        %get3A_286 = vector.shape_cast %get3A_285 : vector<1x16xf32> to vector<16xf32>
        %swap3A_287 = arith.index_cast %add3A_264 : i32 to index
        %swap3A_288 = arith.constant 32 : index
        %swap3A_289 = tpu.vector_load %arg8[%swap3A_287, %swap3A_288] {strides = array<i32>} : memref<128x64xf32, #tpu.memory_space<vmem>>, vector<1x16xf32>,
        %swap3A_290 = vector.shape_cast %swap3A_289 : vector<1x16xf32> to vector<16xf32>
        %swap3A_291 = vector.shape_cast %get3A_286 : vector<16xf32> to vector<1x16xf32>
        tpu.vector_store %arg8[%swap3A_287, %swap3A_288], %swap3A_291 {strides = array<i32>} : memref<128x64xf32, #tpu.memory_space<vmem>>, vector<1x16xf32>,
        %get3A_292 = arith.index_cast %add3A_264 : i32 to index
        %get3A_293 = arith.constant 48 : index
        %get3A_294 = tpu.vector_load %arg6[%get3A_292, %get3A_293] {strides = array<i32>} : memref<128x128xf32, #tpu.memory_space<vmem>>, vector<1x16xf32>,
        %get3A_295 = vector.shape_cast %get3A_294 : vector<1x16xf32> to vector<16xf32>
        %swap3A_296 = arith.index_cast %add3A_264 : i32 to index
        %swap3A_297 = arith.constant 48 : index
        %swap3A_298 = tpu.vector_load %arg8[%swap3A_296, %swap3A_297] {strides = array<i32>} : memref<128x64xf32, #tpu.memory_space<vmem>>, vector<1x16xf32>,
        %swap3A_299 = vector.shape_cast %swap3A_298 : vector<1x16xf32> to vector<16xf32>
        %swap3A_300 = vector.shape_cast %get3A_295 : vector<16xf32> to vector<1x16xf32>
        tpu.vector_store %arg8[%swap3A_296, %swap3A_297], %swap3A_300 {strides = array<i32>} : memref<128x64xf32, #tpu.memory_space<vmem>>, vector<1x16xf32>,
        %mul3A_301 = arith.constant 8 : i32
        %mul3A_302 = arith.muli %scan3A_102, %mul3A_301 : i32
        %add3A_303 = arith.constant 5 : i32
        %add3A_304 = arith.addi %mul3A_302, %add3A_303 : i32
        %get3A_305 = arith.index_cast %add3A_304 : i32 to index
        %get3A_306 = arith.constant 0 : index
        %get3A_307 = tpu.vector_load %arg6[%get3A_305, %get3A_306] {strides = array<i32>} : memref<128x128xf32, #tpu.memory_space<vmem>>, vector<1x16xf32>,
        %get3A_308 = vector.shape_cast %get3A_307 : vector<1x16xf32> to vector<16xf32>
        %swap3A_309 = arith.index_cast %add3A_304 : i32 to index
        %swap3A_310 = arith.constant 0 : index
        %swap3A_311 = tpu.vector_load %arg8[%swap3A_309, %swap3A_310] {strides = array<i32>} : memref<128x64xf32, #tpu.memory_space<vmem>>, vector<1x16xf32>,
        %swap3A_312 = vector.shape_cast %swap3A_311 : vector<1x16xf32> to vector<16xf32>
        %swap3A_313 = vector.shape_cast %get3A_308 : vector<16xf32> to vector<1x16xf32>
        tpu.vector_store %arg8[%swap3A_309, %swap3A_310], %swap3A_313 {strides = array<i32>} : memref<128x64xf32, #tpu.memory_space<vmem>>, vector<1x16xf32>,
        %get3A_314 = arith.index_cast %add3A_304 : i32 to index
        %get3A_315 = arith.constant 16 : index
        %get3A_316 = tpu.vector_load %arg6[%get3A_314, %get3A_315] {strides = array<i32>} : memref<128x128xf32, #tpu.memory_space<vmem>>, vector<1x16xf32>,
        %get3A_317 = vector.shape_cast %get3A_316 : vector<1x16xf32> to vector<16xf32>
        %swap3A_318 = arith.index_cast %add3A_304 : i32 to index
        %swap3A_319 = arith.constant 16 : index
        %swap3A_320 = tpu.vector_load %arg8[%swap3A_318, %swap3A_319] {strides = array<i32>} : memref<128x64xf32, #tpu.memory_space<vmem>>, vector<1x16xf32>,
        %swap3A_321 = vector.shape_cast %swap3A_320 : vector<1x16xf32> to vector<16xf32>
        %swap3A_322 = vector.shape_cast %get3A_317 : vector<16xf32> to vector<1x16xf32>
        tpu.vector_store %arg8[%swap3A_318, %swap3A_319], %swap3A_322 {strides = array<i32>} : memref<128x64xf32, #tpu.memory_space<vmem>>, vector<1x16xf32>,
        %get3A_323 = arith.index_cast %add3A_304 : i32 to index
        %get3A_324 = arith.constant 32 : index
        %get3A_325 = tpu.vector_load %arg6[%get3A_323, %get3A_324] {strides = array<i32>} : memref<128x128xf32, #tpu.memory_space<vmem>>, vector<1x16xf32>,
        %get3A_326 = vector.shape_cast %get3A_325 : vector<1x16xf32> to vector<16xf32>
        %swap3A_327 = arith.index_cast %add3A_304 : i32 to index
        %swap3A_328 = arith.constant 32 : index
        %swap3A_329 = tpu.vector_load %arg8[%swap3A_327, %swap3A_328] {strides = array<i32>} : memref<128x64xf32, #tpu.memory_space<vmem>>, vector<1x16xf32>,
        %swap3A_330 = vector.shape_cast %swap3A_329 : vector<1x16xf32> to vector<16xf32>
        %swap3A_331 = vector.shape_cast %get3A_326 : vector<16xf32> to vector<1x16xf32>
        tpu.vector_store %arg8[%swap3A_327, %swap3A_328], %swap3A_331 {strides = array<i32>} : memref<128x64xf32, #tpu.memory_space<vmem>>, vector<1x16xf32>,
        %get3A_332 = arith.index_cast %add3A_304 : i32 to index
        %get3A_333 = arith.constant 48 : index
        %get3A_334 = tpu.vector_load %arg6[%get3A_332, %get3A_333] {strides = array<i32>} : memref<128x128xf32, #tpu.memory_space<vmem>>, vector<1x16xf32>,
        %get3A_335 = vector.shape_cast %get3A_334 : vector<1x16xf32> to vector<16xf32>
        %swap3A_336 = arith.index_cast %add3A_304 : i32 to index
        %swap3A_337 = arith.constant 48 : index
        %swap3A_338 = tpu.vector_load %arg8[%swap3A_336, %swap3A_337] {strides = array<i32>} : memref<128x64xf32, #tpu.memory_space<vmem>>, vector<1x16xf32>,
        %swap3A_339 = vector.shape_cast %swap3A_338 : vector<1x16xf32> to vector<16xf32>
        %swap3A_340 = vector.shape_cast %get3A_335 : vector<16xf32> to vector<1x16xf32>
        tpu.vector_store %arg8[%swap3A_336, %swap3A_337], %swap3A_340 {strides = array<i32>} : memref<128x64xf32, #tpu.memory_space<vmem>>, vector<1x16xf32>,
        %mul3A_341 = arith.constant 8 : i32
        %mul3A_342 = arith.muli %scan3A_102, %mul3A_341 : i32
        %add3A_343 = arith.constant 6 : i32
        %add3A_344 = arith.addi %mul3A_342, %add3A_343 : i32
        %get3A_345 = arith.index_cast %add3A_344 : i32 to index
        %get3A_346 = arith.constant 0 : index
        %get3A_347 = tpu.vector_load %arg6[%get3A_345, %get3A_346] {strides = array<i32>} : memref<128x128xf32, #tpu.memory_space<vmem>>, vector<1x16xf32>,
        %get3A_348 = vector.shape_cast %get3A_347 : vector<1x16xf32> to vector<16xf32>
        %swap3A_349 = arith.index_cast %add3A_344 : i32 to index
        %swap3A_350 = arith.constant 0 : index
        %swap3A_351 = tpu.vector_load %arg8[%swap3A_349, %swap3A_350] {strides = array<i32>} : memref<128x64xf32, #tpu.memory_space<vmem>>, vector<1x16xf32>,
        %swap3A_352 = vector.shape_cast %swap3A_351 : vector<1x16xf32> to vector<16xf32>
        %swap3A_353 = vector.shape_cast %get3A_348 : vector<16xf32> to vector<1x16xf32>
        tpu.vector_store %arg8[%swap3A_349, %swap3A_350], %swap3A_353 {strides = array<i32>} : memref<128x64xf32, #tpu.memory_space<vmem>>, vector<1x16xf32>,
        %get3A_354 = arith.index_cast %add3A_344 : i32 to index
        %get3A_355 = arith.constant 16 : index
        %get3A_356 = tpu.vector_load %arg6[%get3A_354, %get3A_355] {strides = array<i32>} : memref<128x128xf32, #tpu.memory_space<vmem>>, vector<1x16xf32>,
        %get3A_357 = vector.shape_cast %get3A_356 : vector<1x16xf32> to vector<16xf32>
        %swap3A_358 = arith.index_cast %add3A_344 : i32 to index
        %swap3A_359 = arith.constant 16 : index
        %swap3A_360 = tpu.vector_load %arg8[%swap3A_358, %swap3A_359] {strides = array<i32>} : memref<128x64xf32, #tpu.memory_space<vmem>>, vector<1x16xf32>,
        %swap3A_361 = vector.shape_cast %swap3A_360 : vector<1x16xf32> to vector<16xf32>
        %swap3A_362 = vector.shape_cast %get3A_357 : vector<16xf32> to vector<1x16xf32>
        tpu.vector_store %arg8[%swap3A_358, %swap3A_359], %swap3A_362 {strides = array<i32>} : memref<128x64xf32, #tpu.memory_space<vmem>>, vector<1x16xf32>,
        %get3A_363 = arith.index_cast %add3A_344 : i32 to index
        %get3A_364 = arith.constant 32 : index
        %get3A_365 = tpu.vector_load %arg6[%get3A_363, %get3A_364] {strides = array<i32>} : memref<128x128xf32, #tpu.memory_space<vmem>>, vector<1x16xf32>,
        %get3A_366 = vector.shape_cast %get3A_365 : vector<1x16xf32> to vector<16xf32>
        %swap3A_367 = arith.index_cast %add3A_344 : i32 to index
        %swap3A_368 = arith.constant 32 : index
        %swap3A_369 = tpu.vector_load %arg8[%swap3A_367, %swap3A_368] {strides = array<i32>} : memref<128x64xf32, #tpu.memory_space<vmem>>, vector<1x16xf32>,
        %swap3A_370 = vector.shape_cast %swap3A_369 : vector<1x16xf32> to vector<16xf32>
        %swap3A_371 = vector.shape_cast %get3A_366 : vector<16xf32> to vector<1x16xf32>
        tpu.vector_store %arg8[%swap3A_367, %swap3A_368], %swap3A_371 {strides = array<i32>} : memref<128x64xf32, #tpu.memory_space<vmem>>, vector<1x16xf32>,
        %get3A_372 = arith.index_cast %add3A_344 : i32 to index
        %get3A_373 = arith.constant 48 : index
        %get3A_374 = tpu.vector_load %arg6[%get3A_372, %get3A_373] {strides = array<i32>} : memref<128x128xf32, #tpu.memory_space<vmem>>, vector<1x16xf32>,
        %get3A_375 = vector.shape_cast %get3A_374 : vector<1x16xf32> to vector<16xf32>
        %swap3A_376 = arith.index_cast %add3A_344 : i32 to index
        %swap3A_377 = arith.constant 48 : index
        %swap3A_378 = tpu.vector_load %arg8[%swap3A_376, %swap3A_377] {strides = array<i32>} : memref<128x64xf32, #tpu.memory_space<vmem>>, vector<1x16xf32>,
        %swap3A_379 = vector.shape_cast %swap3A_378 : vector<1x16xf32> to vector<16xf32>
        %swap3A_380 = vector.shape_cast %get3A_375 : vector<16xf32> to vector<1x16xf32>
        tpu.vector_store %arg8[%swap3A_376, %swap3A_377], %swap3A_380 {strides = array<i32>} : memref<128x64xf32, #tpu.memory_space<vmem>>, vector<1x16xf32>,
        %mul3A_381 = arith.constant 8 : i32
        %mul3A_382 = arith.muli %scan3A_102, %mul3A_381 : i32
        %add3A_383 = arith.constant 7 : i32
        %add3A_384 = arith.addi %mul3A_382, %add3A_383 : i32
        %get3A_385 = arith.index_cast %add3A_384 : i32 to index
        %get3A_386 = arith.constant 0 : index
        %get3A_387 = tpu.vector_load %arg6[%get3A_385, %get3A_386] {strides = array<i32>} : memref<128x128xf32, #tpu.memory_space<vmem>>, vector<1x16xf32>,
        %get3A_388 = vector.shape_cast %get3A_387 : vector<1x16xf32> to vector<16xf32>
        %swap3A_389 = arith.index_cast %add3A_384 : i32 to index
        %swap3A_390 = arith.constant 0 : index
        %swap3A_391 = tpu.vector_load %arg8[%swap3A_389, %swap3A_390] {strides = array<i32>} : memref<128x64xf32, #tpu.memory_space<vmem>>, vector<1x16xf32>,
        %swap3A_392 = vector.shape_cast %swap3A_391 : vector<1x16xf32> to vector<16xf32>
        %swap3A_393 = vector.shape_cast %get3A_388 : vector<16xf32> to vector<1x16xf32>
        tpu.vector_store %arg8[%swap3A_389, %swap3A_390], %swap3A_393 {strides = array<i32>} : memref<128x64xf32, #tpu.memory_space<vmem>>, vector<1x16xf32>,
        %get3A_394 = arith.index_cast %add3A_384 : i32 to index
        %get3A_395 = arith.constant 16 : index
        %get3A_396 = tpu.vector_load %arg6[%get3A_394, %get3A_395] {strides = array<i32>} : memref<128x128xf32, #tpu.memory_space<vmem>>, vector<1x16xf32>,
        %get3A_397 = vector.shape_cast %get3A_396 : vector<1x16xf32> to vector<16xf32>
        %swap3A_398 = arith.index_cast %add3A_384 : i32 to index
        %swap3A_399 = arith.constant 16 : index
        %swap3A_400 = tpu.vector_load %arg8[%swap3A_398, %swap3A_399] {strides = array<i32>} : memref<128x64xf32, #tpu.memory_space<vmem>>, vector<1x16xf32>,
        %swap3A_401 = vector.shape_cast %swap3A_400 : vector<1x16xf32> to vector<16xf32>
        %swap3A_402 = vector.shape_cast %get3A_397 : vector<16xf32> to vector<1x16xf32>
        tpu.vector_store %arg8[%swap3A_398, %swap3A_399], %swap3A_402 {strides = array<i32>} : memref<128x64xf32, #tpu.memory_space<vmem>>, vector<1x16xf32>,
        %get3A_403 = arith.index_cast %add3A_384 : i32 to index
        %get3A_404 = arith.constant 32 : index
        %get3A_405 = tpu.vector_load %arg6[%get3A_403, %get3A_404] {strides = array<i32>} : memref<128x128xf32, #tpu.memory_space<vmem>>, vector<1x16xf32>,
        %get3A_406 = vector.shape_cast %get3A_405 : vector<1x16xf32> to vector<16xf32>
        %swap3A_407 = arith.index_cast %add3A_384 : i32 to index
        %swap3A_408 = arith.constant 32 : index
        %swap3A_409 = tpu.vector_load %arg8[%swap3A_407, %swap3A_408] {strides = array<i32>} : memref<128x64xf32, #tpu.memory_space<vmem>>, vector<1x16xf32>,
        %swap3A_410 = vector.shape_cast %swap3A_409 : vector<1x16xf32> to vector<16xf32>
        %swap3A_411 = vector.shape_cast %get3A_406 : vector<16xf32> to vector<1x16xf32>
        tpu.vector_store %arg8[%swap3A_407, %swap3A_408], %swap3A_411 {strides = array<i32>} : memref<128x64xf32, #tpu.memory_space<vmem>>, vector<1x16xf32>,
        %get3A_412 = arith.index_cast %add3A_384 : i32 to index
        %get3A_413 = arith.constant 48 : index
        %get3A_414 = tpu.vector_load %arg6[%get3A_412, %get3A_413] {strides = array<i32>} : memref<128x128xf32, #tpu.memory_space<vmem>>, vector<1x16xf32>,
        %get3A_415 = vector.shape_cast %get3A_414 : vector<1x16xf32> to vector<16xf32>
        %swap3A_416 = arith.index_cast %add3A_384 : i32 to index
        %swap3A_417 = arith.constant 48 : index
        %swap3A_418 = tpu.vector_load %arg8[%swap3A_416, %swap3A_417] {strides = array<i32>} : memref<128x64xf32, #tpu.memory_space<vmem>>, vector<1x16xf32>,
        %swap3A_419 = vector.shape_cast %swap3A_418 : vector<1x16xf32> to vector<16xf32>
        %swap3A_420 = vector.shape_cast %get3A_415 : vector<16xf32> to vector<1x16xf32>
        tpu.vector_store %arg8[%swap3A_416, %swap3A_417], %swap3A_420 {strides = array<i32>} : memref<128x64xf32, #tpu.memory_space<vmem>>, vector<1x16xf32>,
      }
      %scan3A_50 = arith.constant 16 : i32
      %mul3A_51 = arith.constant 128 : i32
      %mul3A_52 = arith.muli %add3A_35, %mul3A_51 : i32
      %multiple_of3A_53 = tpu.assume_multiple %mul3A_52, 128 : i32
      %add3A_54 = arith.addi %mul3A_2, %multiple_of3A_53 : i32
      %dma_start3A_55 = arith.constant 0 : i32
      %dma_start3A_56 = tpu.memref_slice %arg4[%add3A_54, %dma_start3A_55] : memref<819200x64xf32, #tpu.memory_space<hbm>> -> memref<128x64xf32, #tpu.memory_space<hbm>>
      %dma_start3A_57 = arith.constant 0 : i32
      %dma_start3A_58 = tpu.memref_slice %arg4[%add3A_54, %dma_start3A_57] : memref<819200x64xf32, #tpu.memory_space<hbm>> -> memref<128x64xf32, #tpu.memory_space<hbm>>
      tpu.enqueue_dma source(%arg8 : memref<128x64xf32, #tpu.memory_space<vmem>>) target(%dma_start3A_58 : memref<128x64xf32, #tpu.memory_space<hbm>>) target_semaphore(%arg12 : memref<!tpu.dma_semaphore, #tpu.memory_space<semaphore_mem>>)
      %add3A_59 = arith.constant 2 : i32
      %add3A_60 = arith.addi %add3A_35, %add3A_59 : i32
      %lt3A = arith.constant 200 : i32
      %lt3A_61 = arith.cmpi slt, %add3A_60, %lt3A : i32
      %convert_element_type3A_62 = arith.extui %lt3A_61 : i1 to i32
      %cond3A_63 = arith.constant 0 : i32
      %cond3A_64 = arith.cmpi ne, %convert_element_type3A_62, %cond3A_63 : i32
      scf.if %cond3A_64 {
        %add3A_102 = arith.constant 2 : i32
        %add3A_103 = arith.addi %add3A_35, %add3A_102 : i32
        %mul3A_104 = arith.constant 128 : i32
        %mul3A_105 = arith.muli %add3A_103, %mul3A_104 : i32
        %multiple_of3A_106 = tpu.assume_multiple %mul3A_105, 128 : i32
        %dma_start3A_107 = tpu.memref_slice %arg5[%multiple_of3A_106] : memref<25600xi32, #tpu.memory_space<vmem>> -> memref<128xi32, #tpu.memory_space<vmem>>
        %dma_start3A_108 = arith.constant 0 : i32
        %dma_start3A_109 = arith.constant 0 : i32
        %dma_start3A_110 = tpu.memref_slice %arg2[%dma_start3A_108, %dma_start3A_109] : memref<1000000x128xf32, #tpu.memory_space<hbm>> -> memref<1000000x128xf32, #tpu.memory_space<hbm>>
        tpu.enqueue_indirect_dma source(%dma_start3A_110 : memref<1000000x128xf32, #tpu.memory_space<hbm>>) target(%arg6 : memref<128x128xf32, #tpu.memory_space<vmem>>) offsets(%dma_start3A_107 : memref<128xi32, #tpu.memory_space<vmem>>) semaphore(%arg10 : memref<!tpu.dma_semaphore, #tpu.memory_space<semaphore_mem>>)
      } else {
      }
      %mul3A_65 = arith.constant 2 : i32
      %mul3A_66 = arith.muli %mul3A_65, %scan3A_31 : i32
      %add3A_67 = arith.constant 1 : i32
      %add3A_68 = arith.addi %mul3A_66, %add3A_67 : i32
      %mul3A_69 = arith.constant 128 : i32
      %mul3A_70 = arith.muli %add3A_68, %mul3A_69 : i32
      %multiple_of3A_71 = tpu.assume_multiple %mul3A_70, 128 : i32
      %dma_wait3A_72 = tpu.memref_slice %arg5[%multiple_of3A_71] : memref<25600xi32, #tpu.memory_space<vmem>> -> memref<128xi32, #tpu.memory_space<vmem>>
      %dma_wait3A_73 = arith.constant 0 : i32
      %dma_wait3A_74 = arith.constant 0 : i32
      %dma_wait3A_75 = tpu.memref_slice %arg2[%dma_wait3A_73, %dma_wait3A_74] : memref<1000000x128xf32, #tpu.memory_space<hbm>> -> memref<1000000x128xf32, #tpu.memory_space<hbm>>
      tpu.wait_indirect_dma semaphore(%arg11 : memref<!tpu.dma_semaphore, #tpu.memory_space<semaphore_mem>>) src(%dma_wait3A_75 : memref<1000000x128xf32, #tpu.memory_space<hbm>>) dst(%arg7 : memref<128x128xf32, #tpu.memory_space<vmem>>)
      %ge3A_76 = arith.constant 2 : i32
      %ge3A_77 = arith.cmpi sge, %add3A_68, %ge3A_76 : i32
      %convert_element_type3A_78 = arith.extui %ge3A_77 : i1 to i32
      %cond3A_79 = arith.constant 0 : i32
      %cond3A_80 = arith.cmpi ne, %convert_element_type3A_78, %cond3A_79 : i32
      scf.if %cond3A_80 {
        %sub3A = arith.constant 2 : i32
        %sub3A_102 = arith.subi %add3A_68, %sub3A : i32
        %mul3A_103 = arith.constant 128 : i32
        %mul3A_104 = arith.muli %sub3A_102, %mul3A_103 : i32
        %multiple_of3A_105 = tpu.assume_multiple %mul3A_104, 128 : i32
        %add3A_106 = arith.addi %mul3A_2, %multiple_of3A_105 : i32
        %dma_wait3A_107 = arith.constant 0 : i32
        %dma_wait3A_108 = tpu.memref_slice %arg4[%add3A_106, %dma_wait3A_107] : memref<819200x64xf32, #tpu.memory_space<hbm>> -> memref<128x64xf32, #tpu.memory_space<hbm>>
        %dma_wait3A_109 = arith.constant 0 : i32
        %dma_wait3A_110 = tpu.memref_slice %arg4[%add3A_106, %dma_wait3A_109] : memref<819200x64xf32, #tpu.memory_space<hbm>> -> memref<128x64xf32, #tpu.memory_space<hbm>>
        tpu.wait_dma2 semaphore(%arg13 : memref<!tpu.dma_semaphore, #tpu.memory_space<semaphore_mem>>) src(%arg9 : memref<128x64xf32, #tpu.memory_space<vmem>>) dst(%dma_wait3A_110 : memref<128x64xf32, #tpu.memory_space<hbm>>)
      } else {
      }
      %scan3A_81 = arith.constant 0 : i32
      %scan3A_82 = arith.constant 0 : i32
      %scan3A_83 = arith.constant 16 : i32
      %scan3A_84 = arith.addi %scan3A_82, %scan3A_83 : i32
      %scan3A_85 = arith.constant 1 : i32
      scf.for %scan3A_102 = %scan3A_82 to %scan3A_84 step %scan3A_85  : i32 {
        %mul3A_103 = arith.constant 8 : i32
        %mul3A_104 = arith.muli %scan3A_102, %mul3A_103 : i32
        %add3A_105 = arith.constant 0 : i32
        %add3A_106 = arith.addi %mul3A_104, %add3A_105 : i32
        %get3A = arith.index_cast %add3A_106 : i32 to index
        %get3A_107 = arith.constant 0 : index
        %get3A_108 = tpu.vector_load %arg7[%get3A, %get3A_107] {strides = array<i32>} : memref<128x128xf32, #tpu.memory_space<vmem>>, vector<1x16xf32>,
        %get3A_109 = vector.shape_cast %get3A_108 : vector<1x16xf32> to vector<16xf32>
        %swap3A = arith.index_cast %add3A_106 : i32 to index
        %swap3A_110 = arith.constant 0 : index
        %swap3A_111 = tpu.vector_load %arg9[%swap3A, %swap3A_110] {strides = array<i32>} : memref<128x64xf32, #tpu.memory_space<vmem>>, vector<1x16xf32>,
        %swap3A_112 = vector.shape_cast %swap3A_111 : vector<1x16xf32> to vector<16xf32>
        %swap3A_113 = vector.shape_cast %get3A_109 : vector<16xf32> to vector<1x16xf32>
        tpu.vector_store %arg9[%swap3A, %swap3A_110], %swap3A_113 {strides = array<i32>} : memref<128x64xf32, #tpu.memory_space<vmem>>, vector<1x16xf32>,
        %get3A_114 = arith.index_cast %add3A_106 : i32 to index
        %get3A_115 = arith.constant 16 : index
        %get3A_116 = tpu.vector_load %arg7[%get3A_114, %get3A_115] {strides = array<i32>} : memref<128x128xf32, #tpu.memory_space<vmem>>, vector<1x16xf32>,
        %get3A_117 = vector.shape_cast %get3A_116 : vector<1x16xf32> to vector<16xf32>
        %swap3A_118 = arith.index_cast %add3A_106 : i32 to index
        %swap3A_119 = arith.constant 16 : index
        %swap3A_120 = tpu.vector_load %arg9[%swap3A_118, %swap3A_119] {strides = array<i32>} : memref<128x64xf32, #tpu.memory_space<vmem>>, vector<1x16xf32>,
        %swap3A_121 = vector.shape_cast %swap3A_120 : vector<1x16xf32> to vector<16xf32>
        %swap3A_122 = vector.shape_cast %get3A_117 : vector<16xf32> to vector<1x16xf32>
        tpu.vector_store %arg9[%swap3A_118, %swap3A_119], %swap3A_122 {strides = array<i32>} : memref<128x64xf32, #tpu.memory_space<vmem>>, vector<1x16xf32>,
        %get3A_123 = arith.index_cast %add3A_106 : i32 to index
        %get3A_124 = arith.constant 32 : index
        %get3A_125 = tpu.vector_load %arg7[%get3A_123, %get3A_124] {strides = array<i32>} : memref<128x128xf32, #tpu.memory_space<vmem>>, vector<1x16xf32>,
        %get3A_126 = vector.shape_cast %get3A_125 : vector<1x16xf32> to vector<16xf32>
        %swap3A_127 = arith.index_cast %add3A_106 : i32 to index
        %swap3A_128 = arith.constant 32 : index
        %swap3A_129 = tpu.vector_load %arg9[%swap3A_127, %swap3A_128] {strides = array<i32>} : memref<128x64xf32, #tpu.memory_space<vmem>>, vector<1x16xf32>,
        %swap3A_130 = vector.shape_cast %swap3A_129 : vector<1x16xf32> to vector<16xf32>
        %swap3A_131 = vector.shape_cast %get3A_126 : vector<16xf32> to vector<1x16xf32>
        tpu.vector_store %arg9[%swap3A_127, %swap3A_128], %swap3A_131 {strides = array<i32>} : memref<128x64xf32, #tpu.memory_space<vmem>>, vector<1x16xf32>,
        %get3A_132 = arith.index_cast %add3A_106 : i32 to index
        %get3A_133 = arith.constant 48 : index
        %get3A_134 = tpu.vector_load %arg7[%get3A_132, %get3A_133] {strides = array<i32>} : memref<128x128xf32, #tpu.memory_space<vmem>>, vector<1x16xf32>,
        %get3A_135 = vector.shape_cast %get3A_134 : vector<1x16xf32> to vector<16xf32>
        %swap3A_136 = arith.index_cast %add3A_106 : i32 to index
        %swap3A_137 = arith.constant 48 : index
        %swap3A_138 = tpu.vector_load %arg9[%swap3A_136, %swap3A_137] {strides = array<i32>} : memref<128x64xf32, #tpu.memory_space<vmem>>, vector<1x16xf32>,
        %swap3A_139 = vector.shape_cast %swap3A_138 : vector<1x16xf32> to vector<16xf32>
        %swap3A_140 = vector.shape_cast %get3A_135 : vector<16xf32> to vector<1x16xf32>
        tpu.vector_store %arg9[%swap3A_136, %swap3A_137], %swap3A_140 {strides = array<i32>} : memref<128x64xf32, #tpu.memory_space<vmem>>, vector<1x16xf32>,
        %mul3A_141 = arith.constant 8 : i32
        %mul3A_142 = arith.muli %scan3A_102, %mul3A_141 : i32
        %add3A_143 = arith.constant 1 : i32
        %add3A_144 = arith.addi %mul3A_142, %add3A_143 : i32
        %get3A_145 = arith.index_cast %add3A_144 : i32 to index
        %get3A_146 = arith.constant 0 : index
        %get3A_147 = tpu.vector_load %arg7[%get3A_145, %get3A_146] {strides = array<i32>} : memref<128x128xf32, #tpu.memory_space<vmem>>, vector<1x16xf32>,
        %get3A_148 = vector.shape_cast %get3A_147 : vector<1x16xf32> to vector<16xf32>
        %swap3A_149 = arith.index_cast %add3A_144 : i32 to index
        %swap3A_150 = arith.constant 0 : index
        %swap3A_151 = tpu.vector_load %arg9[%swap3A_149, %swap3A_150] {strides = array<i32>} : memref<128x64xf32, #tpu.memory_space<vmem>>, vector<1x16xf32>,
        %swap3A_152 = vector.shape_cast %swap3A_151 : vector<1x16xf32> to vector<16xf32>
        %swap3A_153 = vector.shape_cast %get3A_148 : vector<16xf32> to vector<1x16xf32>
        tpu.vector_store %arg9[%swap3A_149, %swap3A_150], %swap3A_153 {strides = array<i32>} : memref<128x64xf32, #tpu.memory_space<vmem>>, vector<1x16xf32>,
        %get3A_154 = arith.index_cast %add3A_144 : i32 to index
        %get3A_155 = arith.constant 16 : index
        %get3A_156 = tpu.vector_load %arg7[%get3A_154, %get3A_155] {strides = array<i32>} : memref<128x128xf32, #tpu.memory_space<vmem>>, vector<1x16xf32>,
        %get3A_157 = vector.shape_cast %get3A_156 : vector<1x16xf32> to vector<16xf32>
        %swap3A_158 = arith.index_cast %add3A_144 : i32 to index
        %swap3A_159 = arith.constant 16 : index
        %swap3A_160 = tpu.vector_load %arg9[%swap3A_158, %swap3A_159] {strides = array<i32>} : memref<128x64xf32, #tpu.memory_space<vmem>>, vector<1x16xf32>,
        %swap3A_161 = vector.shape_cast %swap3A_160 : vector<1x16xf32> to vector<16xf32>
        %swap3A_162 = vector.shape_cast %get3A_157 : vector<16xf32> to vector<1x16xf32>
        tpu.vector_store %arg9[%swap3A_158, %swap3A_159], %swap3A_162 {strides = array<i32>} : memref<128x64xf32, #tpu.memory_space<vmem>>, vector<1x16xf32>,
        %get3A_163 = arith.index_cast %add3A_144 : i32 to index
        %get3A_164 = arith.constant 32 : index
        %get3A_165 = tpu.vector_load %arg7[%get3A_163, %get3A_164] {strides = array<i32>} : memref<128x128xf32, #tpu.memory_space<vmem>>, vector<1x16xf32>,
        %get3A_166 = vector.shape_cast %get3A_165 : vector<1x16xf32> to vector<16xf32>
        %swap3A_167 = arith.index_cast %add3A_144 : i32 to index
        %swap3A_168 = arith.constant 32 : index
        %swap3A_169 = tpu.vector_load %arg9[%swap3A_167, %swap3A_168] {strides = array<i32>} : memref<128x64xf32, #tpu.memory_space<vmem>>, vector<1x16xf32>,
        %swap3A_170 = vector.shape_cast %swap3A_169 : vector<1x16xf32> to vector<16xf32>
        %swap3A_171 = vector.shape_cast %get3A_166 : vector<16xf32> to vector<1x16xf32>
        tpu.vector_store %arg9[%swap3A_167, %swap3A_168], %swap3A_171 {strides = array<i32>} : memref<128x64xf32, #tpu.memory_space<vmem>>, vector<1x16xf32>,
        %get3A_172 = arith.index_cast %add3A_144 : i32 to index
        %get3A_173 = arith.constant 48 : index
        %get3A_174 = tpu.vector_load %arg7[%get3A_172, %get3A_173] {strides = array<i32>} : memref<128x128xf32, #tpu.memory_space<vmem>>, vector<1x16xf32>,
        %get3A_175 = vector.shape_cast %get3A_174 : vector<1x16xf32> to vector<16xf32>
        %swap3A_176 = arith.index_cast %add3A_144 : i32 to index
        %swap3A_177 = arith.constant 48 : index
        %swap3A_178 = tpu.vector_load %arg9[%swap3A_176, %swap3A_177] {strides = array<i32>} : memref<128x64xf32, #tpu.memory_space<vmem>>, vector<1x16xf32>,
        %swap3A_179 = vector.shape_cast %swap3A_178 : vector<1x16xf32> to vector<16xf32>
        %swap3A_180 = vector.shape_cast %get3A_175 : vector<16xf32> to vector<1x16xf32>
        tpu.vector_store %arg9[%swap3A_176, %swap3A_177], %swap3A_180 {strides = array<i32>} : memref<128x64xf32, #tpu.memory_space<vmem>>, vector<1x16xf32>,
        %mul3A_181 = arith.constant 8 : i32
        %mul3A_182 = arith.muli %scan3A_102, %mul3A_181 : i32
        %add3A_183 = arith.constant 2 : i32
        %add3A_184 = arith.addi %mul3A_182, %add3A_183 : i32
        %get3A_185 = arith.index_cast %add3A_184 : i32 to index
        %get3A_186 = arith.constant 0 : index
        %get3A_187 = tpu.vector_load %arg7[%get3A_185, %get3A_186] {strides = array<i32>} : memref<128x128xf32, #tpu.memory_space<vmem>>, vector<1x16xf32>,
        %get3A_188 = vector.shape_cast %get3A_187 : vector<1x16xf32> to vector<16xf32>
        %swap3A_189 = arith.index_cast %add3A_184 : i32 to index
        %swap3A_190 = arith.constant 0 : index
        %swap3A_191 = tpu.vector_load %arg9[%swap3A_189, %swap3A_190] {strides = array<i32>} : memref<128x64xf32, #tpu.memory_space<vmem>>, vector<1x16xf32>,
        %swap3A_192 = vector.shape_cast %swap3A_191 : vector<1x16xf32> to vector<16xf32>
        %swap3A_193 = vector.shape_cast %get3A_188 : vector<16xf32> to vector<1x16xf32>
        tpu.vector_store %arg9[%swap3A_189, %swap3A_190], %swap3A_193 {strides = array<i32>} : memref<128x64xf32, #tpu.memory_space<vmem>>, vector<1x16xf32>,
        %get3A_194 = arith.index_cast %add3A_184 : i32 to index
        %get3A_195 = arith.constant 16 : index
        %get3A_196 = tpu.vector_load %arg7[%get3A_194, %get3A_195] {strides = array<i32>} : memref<128x128xf32, #tpu.memory_space<vmem>>, vector<1x16xf32>,
        %get3A_197 = vector.shape_cast %get3A_196 : vector<1x16xf32> to vector<16xf32>
        %swap3A_198 = arith.index_cast %add3A_184 : i32 to index
        %swap3A_199 = arith.constant 16 : index
        %swap3A_200 = tpu.vector_load %arg9[%swap3A_198, %swap3A_199] {strides = array<i32>} : memref<128x64xf32, #tpu.memory_space<vmem>>, vector<1x16xf32>,
        %swap3A_201 = vector.shape_cast %swap3A_200 : vector<1x16xf32> to vector<16xf32>
        %swap3A_202 = vector.shape_cast %get3A_197 : vector<16xf32> to vector<1x16xf32>
        tpu.vector_store %arg9[%swap3A_198, %swap3A_199], %swap3A_202 {strides = array<i32>} : memref<128x64xf32, #tpu.memory_space<vmem>>, vector<1x16xf32>,
        %get3A_203 = arith.index_cast %add3A_184 : i32 to index
        %get3A_204 = arith.constant 32 : index
        %get3A_205 = tpu.vector_load %arg7[%get3A_203, %get3A_204] {strides = array<i32>} : memref<128x128xf32, #tpu.memory_space<vmem>>, vector<1x16xf32>,
        %get3A_206 = vector.shape_cast %get3A_205 : vector<1x16xf32> to vector<16xf32>
        %swap3A_207 = arith.index_cast %add3A_184 : i32 to index
        %swap3A_208 = arith.constant 32 : index
        %swap3A_209 = tpu.vector_load %arg9[%swap3A_207, %swap3A_208] {strides = array<i32>} : memref<128x64xf32, #tpu.memory_space<vmem>>, vector<1x16xf32>,
        %swap3A_210 = vector.shape_cast %swap3A_209 : vector<1x16xf32> to vector<16xf32>
        %swap3A_211 = vector.shape_cast %get3A_206 : vector<16xf32> to vector<1x16xf32>
        tpu.vector_store %arg9[%swap3A_207, %swap3A_208], %swap3A_211 {strides = array<i32>} : memref<128x64xf32, #tpu.memory_space<vmem>>, vector<1x16xf32>,
        %get3A_212 = arith.index_cast %add3A_184 : i32 to index
        %get3A_213 = arith.constant 48 : index
        %get3A_214 = tpu.vector_load %arg7[%get3A_212, %get3A_213] {strides = array<i32>} : memref<128x128xf32, #tpu.memory_space<vmem>>, vector<1x16xf32>,
        %get3A_215 = vector.shape_cast %get3A_214 : vector<1x16xf32> to vector<16xf32>
        %swap3A_216 = arith.index_cast %add3A_184 : i32 to index
        %swap3A_217 = arith.constant 48 : index
        %swap3A_218 = tpu.vector_load %arg9[%swap3A_216, %swap3A_217] {strides = array<i32>} : memref<128x64xf32, #tpu.memory_space<vmem>>, vector<1x16xf32>,
        %swap3A_219 = vector.shape_cast %swap3A_218 : vector<1x16xf32> to vector<16xf32>
        %swap3A_220 = vector.shape_cast %get3A_215 : vector<16xf32> to vector<1x16xf32>
        tpu.vector_store %arg9[%swap3A_216, %swap3A_217], %swap3A_220 {strides = array<i32>} : memref<128x64xf32, #tpu.memory_space<vmem>>, vector<1x16xf32>,
        %mul3A_221 = arith.constant 8 : i32
        %mul3A_222 = arith.muli %scan3A_102, %mul3A_221 : i32
        %add3A_223 = arith.constant 3 : i32
        %add3A_224 = arith.addi %mul3A_222, %add3A_223 : i32
        %get3A_225 = arith.index_cast %add3A_224 : i32 to index
        %get3A_226 = arith.constant 0 : index
        %get3A_227 = tpu.vector_load %arg7[%get3A_225, %get3A_226] {strides = array<i32>} : memref<128x128xf32, #tpu.memory_space<vmem>>, vector<1x16xf32>,
        %get3A_228 = vector.shape_cast %get3A_227 : vector<1x16xf32> to vector<16xf32>
        %swap3A_229 = arith.index_cast %add3A_224 : i32 to index
        %swap3A_230 = arith.constant 0 : index
        %swap3A_231 = tpu.vector_load %arg9[%swap3A_229, %swap3A_230] {strides = array<i32>} : memref<128x64xf32, #tpu.memory_space<vmem>>, vector<1x16xf32>,
        %swap3A_232 = vector.shape_cast %swap3A_231 : vector<1x16xf32> to vector<16xf32>
        %swap3A_233 = vector.shape_cast %get3A_228 : vector<16xf32> to vector<1x16xf32>
        tpu.vector_store %arg9[%swap3A_229, %swap3A_230], %swap3A_233 {strides = array<i32>} : memref<128x64xf32, #tpu.memory_space<vmem>>, vector<1x16xf32>,
        %get3A_234 = arith.index_cast %add3A_224 : i32 to index
        %get3A_235 = arith.constant 16 : index
        %get3A_236 = tpu.vector_load %arg7[%get3A_234, %get3A_235] {strides = array<i32>} : memref<128x128xf32, #tpu.memory_space<vmem>>, vector<1x16xf32>,
        %get3A_237 = vector.shape_cast %get3A_236 : vector<1x16xf32> to vector<16xf32>
        %swap3A_238 = arith.index_cast %add3A_224 : i32 to index
        %swap3A_239 = arith.constant 16 : index
        %swap3A_240 = tpu.vector_load %arg9[%swap3A_238, %swap3A_239] {strides = array<i32>} : memref<128x64xf32, #tpu.memory_space<vmem>>, vector<1x16xf32>,
        %swap3A_241 = vector.shape_cast %swap3A_240 : vector<1x16xf32> to vector<16xf32>
        %swap3A_242 = vector.shape_cast %get3A_237 : vector<16xf32> to vector<1x16xf32>
        tpu.vector_store %arg9[%swap3A_238, %swap3A_239], %swap3A_242 {strides = array<i32>} : memref<128x64xf32, #tpu.memory_space<vmem>>, vector<1x16xf32>,
        %get3A_243 = arith.index_cast %add3A_224 : i32 to index
        %get3A_244 = arith.constant 32 : index
        %get3A_245 = tpu.vector_load %arg7[%get3A_243, %get3A_244] {strides = array<i32>} : memref<128x128xf32, #tpu.memory_space<vmem>>, vector<1x16xf32>,
        %get3A_246 = vector.shape_cast %get3A_245 : vector<1x16xf32> to vector<16xf32>
        %swap3A_247 = arith.index_cast %add3A_224 : i32 to index
        %swap3A_248 = arith.constant 32 : index
        %swap3A_249 = tpu.vector_load %arg9[%swap3A_247, %swap3A_248] {strides = array<i32>} : memref<128x64xf32, #tpu.memory_space<vmem>>, vector<1x16xf32>,
        %swap3A_250 = vector.shape_cast %swap3A_249 : vector<1x16xf32> to vector<16xf32>
        %swap3A_251 = vector.shape_cast %get3A_246 : vector<16xf32> to vector<1x16xf32>
        tpu.vector_store %arg9[%swap3A_247, %swap3A_248], %swap3A_251 {strides = array<i32>} : memref<128x64xf32, #tpu.memory_space<vmem>>, vector<1x16xf32>,
        %get3A_252 = arith.index_cast %add3A_224 : i32 to index
        %get3A_253 = arith.constant 48 : index
        %get3A_254 = tpu.vector_load %arg7[%get3A_252, %get3A_253] {strides = array<i32>} : memref<128x128xf32, #tpu.memory_space<vmem>>, vector<1x16xf32>,
        %get3A_255 = vector.shape_cast %get3A_254 : vector<1x16xf32> to vector<16xf32>
        %swap3A_256 = arith.index_cast %add3A_224 : i32 to index
        %swap3A_257 = arith.constant 48 : index
        %swap3A_258 = tpu.vector_load %arg9[%swap3A_256, %swap3A_257] {strides = array<i32>} : memref<128x64xf32, #tpu.memory_space<vmem>>, vector<1x16xf32>,
        %swap3A_259 = vector.shape_cast %swap3A_258 : vector<1x16xf32> to vector<16xf32>
        %swap3A_260 = vector.shape_cast %get3A_255 : vector<16xf32> to vector<1x16xf32>
        tpu.vector_store %arg9[%swap3A_256, %swap3A_257], %swap3A_260 {strides = array<i32>} : memref<128x64xf32, #tpu.memory_space<vmem>>, vector<1x16xf32>,
        %mul3A_261 = arith.constant 8 : i32
        %mul3A_262 = arith.muli %scan3A_102, %mul3A_261 : i32
        %add3A_263 = arith.constant 4 : i32
        %add3A_264 = arith.addi %mul3A_262, %add3A_263 : i32
        %get3A_265 = arith.index_cast %add3A_264 : i32 to index
        %get3A_266 = arith.constant 0 : index
        %get3A_267 = tpu.vector_load %arg7[%get3A_265, %get3A_266] {strides = array<i32>} : memref<128x128xf32, #tpu.memory_space<vmem>>, vector<1x16xf32>,
        %get3A_268 = vector.shape_cast %get3A_267 : vector<1x16xf32> to vector<16xf32>
        %swap3A_269 = arith.index_cast %add3A_264 : i32 to index
        %swap3A_270 = arith.constant 0 : index
        %swap3A_271 = tpu.vector_load %arg9[%swap3A_269, %swap3A_270] {strides = array<i32>} : memref<128x64xf32, #tpu.memory_space<vmem>>, vector<1x16xf32>,
        %swap3A_272 = vector.shape_cast %swap3A_271 : vector<1x16xf32> to vector<16xf32>
        %swap3A_273 = vector.shape_cast %get3A_268 : vector<16xf32> to vector<1x16xf32>
        tpu.vector_store %arg9[%swap3A_269, %swap3A_270], %swap3A_273 {strides = array<i32>} : memref<128x64xf32, #tpu.memory_space<vmem>>, vector<1x16xf32>,
        %get3A_274 = arith.index_cast %add3A_264 : i32 to index
        %get3A_275 = arith.constant 16 : index
        %get3A_276 = tpu.vector_load %arg7[%get3A_274, %get3A_275] {strides = array<i32>} : memref<128x128xf32, #tpu.memory_space<vmem>>, vector<1x16xf32>,
        %get3A_277 = vector.shape_cast %get3A_276 : vector<1x16xf32> to vector<16xf32>
        %swap3A_278 = arith.index_cast %add3A_264 : i32 to index
        %swap3A_279 = arith.constant 16 : index
        %swap3A_280 = tpu.vector_load %arg9[%swap3A_278, %swap3A_279] {strides = array<i32>} : memref<128x64xf32, #tpu.memory_space<vmem>>, vector<1x16xf32>,
        %swap3A_281 = vector.shape_cast %swap3A_280 : vector<1x16xf32> to vector<16xf32>
        %swap3A_282 = vector.shape_cast %get3A_277 : vector<16xf32> to vector<1x16xf32>
        tpu.vector_store %arg9[%swap3A_278, %swap3A_279], %swap3A_282 {strides = array<i32>} : memref<128x64xf32, #tpu.memory_space<vmem>>, vector<1x16xf32>,
        %get3A_283 = arith.index_cast %add3A_264 : i32 to index
        %get3A_284 = arith.constant 32 : index
        %get3A_285 = tpu.vector_load %arg7[%get3A_283, %get3A_284] {strides = array<i32>} : memref<128x128xf32, #tpu.memory_space<vmem>>, vector<1x16xf32>,
        %get3A_286 = vector.shape_cast %get3A_285 : vector<1x16xf32> to vector<16xf32>
        %swap3A_287 = arith.index_cast %add3A_264 : i32 to index
        %swap3A_288 = arith.constant 32 : index
        %swap3A_289 = tpu.vector_load %arg9[%swap3A_287, %swap3A_288] {strides = array<i32>} : memref<128x64xf32, #tpu.memory_space<vmem>>, vector<1x16xf32>,
        %swap3A_290 = vector.shape_cast %swap3A_289 : vector<1x16xf32> to vector<16xf32>
        %swap3A_291 = vector.shape_cast %get3A_286 : vector<16xf32> to vector<1x16xf32>
        tpu.vector_store %arg9[%swap3A_287, %swap3A_288], %swap3A_291 {strides = array<i32>} : memref<128x64xf32, #tpu.memory_space<vmem>>, vector<1x16xf32>,
        %get3A_292 = arith.index_cast %add3A_264 : i32 to index
        %get3A_293 = arith.constant 48 : index
        %get3A_294 = tpu.vector_load %arg7[%get3A_292, %get3A_293] {strides = array<i32>} : memref<128x128xf32, #tpu.memory_space<vmem>>, vector<1x16xf32>,
        %get3A_295 = vector.shape_cast %get3A_294 : vector<1x16xf32> to vector<16xf32>
        %swap3A_296 = arith.index_cast %add3A_264 : i32 to index
        %swap3A_297 = arith.constant 48 : index
        %swap3A_298 = tpu.vector_load %arg9[%swap3A_296, %swap3A_297] {strides = array<i32>} : memref<128x64xf32, #tpu.memory_space<vmem>>, vector<1x16xf32>,
        %swap3A_299 = vector.shape_cast %swap3A_298 : vector<1x16xf32> to vector<16xf32>
        %swap3A_300 = vector.shape_cast %get3A_295 : vector<16xf32> to vector<1x16xf32>
        tpu.vector_store %arg9[%swap3A_296, %swap3A_297], %swap3A_300 {strides = array<i32>} : memref<128x64xf32, #tpu.memory_space<vmem>>, vector<1x16xf32>,
        %mul3A_301 = arith.constant 8 : i32
        %mul3A_302 = arith.muli %scan3A_102, %mul3A_301 : i32
        %add3A_303 = arith.constant 5 : i32
        %add3A_304 = arith.addi %mul3A_302, %add3A_303 : i32
        %get3A_305 = arith.index_cast %add3A_304 : i32 to index
        %get3A_306 = arith.constant 0 : index
        %get3A_307 = tpu.vector_load %arg7[%get3A_305, %get3A_306] {strides = array<i32>} : memref<128x128xf32, #tpu.memory_space<vmem>>, vector<1x16xf32>,
        %get3A_308 = vector.shape_cast %get3A_307 : vector<1x16xf32> to vector<16xf32>
        %swap3A_309 = arith.index_cast %add3A_304 : i32 to index
        %swap3A_310 = arith.constant 0 : index
        %swap3A_311 = tpu.vector_load %arg9[%swap3A_309, %swap3A_310] {strides = array<i32>} : memref<128x64xf32, #tpu.memory_space<vmem>>, vector<1x16xf32>,
        %swap3A_312 = vector.shape_cast %swap3A_311 : vector<1x16xf32> to vector<16xf32>
        %swap3A_313 = vector.shape_cast %get3A_308 : vector<16xf32> to vector<1x16xf32>
        tpu.vector_store %arg9[%swap3A_309, %swap3A_310], %swap3A_313 {strides = array<i32>} : memref<128x64xf32, #tpu.memory_space<vmem>>, vector<1x16xf32>,
        %get3A_314 = arith.index_cast %add3A_304 : i32 to index
        %get3A_315 = arith.constant 16 : index
        %get3A_316 = tpu.vector_load %arg7[%get3A_314, %get3A_315] {strides = array<i32>} : memref<128x128xf32, #tpu.memory_space<vmem>>, vector<1x16xf32>,
        %get3A_317 = vector.shape_cast %get3A_316 : vector<1x16xf32> to vector<16xf32>
        %swap3A_318 = arith.index_cast %add3A_304 : i32 to index
        %swap3A_319 = arith.constant 16 : index
        %swap3A_320 = tpu.vector_load %arg9[%swap3A_318, %swap3A_319] {strides = array<i32>} : memref<128x64xf32, #tpu.memory_space<vmem>>, vector<1x16xf32>,
        %swap3A_321 = vector.shape_cast %swap3A_320 : vector<1x16xf32> to vector<16xf32>
        %swap3A_322 = vector.shape_cast %get3A_317 : vector<16xf32> to vector<1x16xf32>
        tpu.vector_store %arg9[%swap3A_318, %swap3A_319], %swap3A_322 {strides = array<i32>} : memref<128x64xf32, #tpu.memory_space<vmem>>, vector<1x16xf32>,
        %get3A_323 = arith.index_cast %add3A_304 : i32 to index
        %get3A_324 = arith.constant 32 : index
        %get3A_325 = tpu.vector_load %arg7[%get3A_323, %get3A_324] {strides = array<i32>} : memref<128x128xf32, #tpu.memory_space<vmem>>, vector<1x16xf32>,
        %get3A_326 = vector.shape_cast %get3A_325 : vector<1x16xf32> to vector<16xf32>
        %swap3A_327 = arith.index_cast %add3A_304 : i32 to index
        %swap3A_328 = arith.constant 32 : index
        %swap3A_329 = tpu.vector_load %arg9[%swap3A_327, %swap3A_328] {strides = array<i32>} : memref<128x64xf32, #tpu.memory_space<vmem>>, vector<1x16xf32>,
        %swap3A_330 = vector.shape_cast %swap3A_329 : vector<1x16xf32> to vector<16xf32>
        %swap3A_331 = vector.shape_cast %get3A_326 : vector<16xf32> to vector<1x16xf32>
        tpu.vector_store %arg9[%swap3A_327, %swap3A_328], %swap3A_331 {strides = array<i32>} : memref<128x64xf32, #tpu.memory_space<vmem>>, vector<1x16xf32>,
        %get3A_332 = arith.index_cast %add3A_304 : i32 to index
        %get3A_333 = arith.constant 48 : index
        %get3A_334 = tpu.vector_load %arg7[%get3A_332, %get3A_333] {strides = array<i32>} : memref<128x128xf32, #tpu.memory_space<vmem>>, vector<1x16xf32>,
        %get3A_335 = vector.shape_cast %get3A_334 : vector<1x16xf32> to vector<16xf32>
        %swap3A_336 = arith.index_cast %add3A_304 : i32 to index
        %swap3A_337 = arith.constant 48 : index
        %swap3A_338 = tpu.vector_load %arg9[%swap3A_336, %swap3A_337] {strides = array<i32>} : memref<128x64xf32, #tpu.memory_space<vmem>>, vector<1x16xf32>,
        %swap3A_339 = vector.shape_cast %swap3A_338 : vector<1x16xf32> to vector<16xf32>
        %swap3A_340 = vector.shape_cast %get3A_335 : vector<16xf32> to vector<1x16xf32>
        tpu.vector_store %arg9[%swap3A_336, %swap3A_337], %swap3A_340 {strides = array<i32>} : memref<128x64xf32, #tpu.memory_space<vmem>>, vector<1x16xf32>,
        %mul3A_341 = arith.constant 8 : i32
        %mul3A_342 = arith.muli %scan3A_102, %mul3A_341 : i32
        %add3A_343 = arith.constant 6 : i32
        %add3A_344 = arith.addi %mul3A_342, %add3A_343 : i32
        %get3A_345 = arith.index_cast %add3A_344 : i32 to index
        %get3A_346 = arith.constant 0 : index
        %get3A_347 = tpu.vector_load %arg7[%get3A_345, %get3A_346] {strides = array<i32>} : memref<128x128xf32, #tpu.memory_space<vmem>>, vector<1x16xf32>,
        %get3A_348 = vector.shape_cast %get3A_347 : vector<1x16xf32> to vector<16xf32>
        %swap3A_349 = arith.index_cast %add3A_344 : i32 to index
        %swap3A_350 = arith.constant 0 : index
        %swap3A_351 = tpu.vector_load %arg9[%swap3A_349, %swap3A_350] {strides = array<i32>} : memref<128x64xf32, #tpu.memory_space<vmem>>, vector<1x16xf32>,
        %swap3A_352 = vector.shape_cast %swap3A_351 : vector<1x16xf32> to vector<16xf32>
        %swap3A_353 = vector.shape_cast %get3A_348 : vector<16xf32> to vector<1x16xf32>
        tpu.vector_store %arg9[%swap3A_349, %swap3A_350], %swap3A_353 {strides = array<i32>} : memref<128x64xf32, #tpu.memory_space<vmem>>, vector<1x16xf32>,
        %get3A_354 = arith.index_cast %add3A_344 : i32 to index
        %get3A_355 = arith.constant 16 : index
        %get3A_356 = tpu.vector_load %arg7[%get3A_354, %get3A_355] {strides = array<i32>} : memref<128x128xf32, #tpu.memory_space<vmem>>, vector<1x16xf32>,
        %get3A_357 = vector.shape_cast %get3A_356 : vector<1x16xf32> to vector<16xf32>
        %swap3A_358 = arith.index_cast %add3A_344 : i32 to index
        %swap3A_359 = arith.constant 16 : index
        %swap3A_360 = tpu.vector_load %arg9[%swap3A_358, %swap3A_359] {strides = array<i32>} : memref<128x64xf32, #tpu.memory_space<vmem>>, vector<1x16xf32>,
        %swap3A_361 = vector.shape_cast %swap3A_360 : vector<1x16xf32> to vector<16xf32>
        %swap3A_362 = vector.shape_cast %get3A_357 : vector<16xf32> to vector<1x16xf32>
        tpu.vector_store %arg9[%swap3A_358, %swap3A_359], %swap3A_362 {strides = array<i32>} : memref<128x64xf32, #tpu.memory_space<vmem>>, vector<1x16xf32>,
        %get3A_363 = arith.index_cast %add3A_344 : i32 to index
        %get3A_364 = arith.constant 32 : index
        %get3A_365 = tpu.vector_load %arg7[%get3A_363, %get3A_364] {strides = array<i32>} : memref<128x128xf32, #tpu.memory_space<vmem>>, vector<1x16xf32>,
        %get3A_366 = vector.shape_cast %get3A_365 : vector<1x16xf32> to vector<16xf32>
        %swap3A_367 = arith.index_cast %add3A_344 : i32 to index
        %swap3A_368 = arith.constant 32 : index
        %swap3A_369 = tpu.vector_load %arg9[%swap3A_367, %swap3A_368] {strides = array<i32>} : memref<128x64xf32, #tpu.memory_space<vmem>>, vector<1x16xf32>,
        %swap3A_370 = vector.shape_cast %swap3A_369 : vector<1x16xf32> to vector<16xf32>
        %swap3A_371 = vector.shape_cast %get3A_366 : vector<16xf32> to vector<1x16xf32>
        tpu.vector_store %arg9[%swap3A_367, %swap3A_368], %swap3A_371 {strides = array<i32>} : memref<128x64xf32, #tpu.memory_space<vmem>>, vector<1x16xf32>,
        %get3A_372 = arith.index_cast %add3A_344 : i32 to index
        %get3A_373 = arith.constant 48 : index
        %get3A_374 = tpu.vector_load %arg7[%get3A_372, %get3A_373] {strides = array<i32>} : memref<128x128xf32, #tpu.memory_space<vmem>>, vector<1x16xf32>,
        %get3A_375 = vector.shape_cast %get3A_374 : vector<1x16xf32> to vector<16xf32>
        %swap3A_376 = arith.index_cast %add3A_344 : i32 to index
        %swap3A_377 = arith.constant 48 : index
        %swap3A_378 = tpu.vector_load %arg9[%swap3A_376, %swap3A_377] {strides = array<i32>} : memref<128x64xf32, #tpu.memory_space<vmem>>, vector<1x16xf32>,
        %swap3A_379 = vector.shape_cast %swap3A_378 : vector<1x16xf32> to vector<16xf32>
        %swap3A_380 = vector.shape_cast %get3A_375 : vector<16xf32> to vector<1x16xf32>
        tpu.vector_store %arg9[%swap3A_376, %swap3A_377], %swap3A_380 {strides = array<i32>} : memref<128x64xf32, #tpu.memory_space<vmem>>, vector<1x16xf32>,
        %mul3A_381 = arith.constant 8 : i32
        %mul3A_382 = arith.muli %scan3A_102, %mul3A_381 : i32
        %add3A_383 = arith.constant 7 : i32
        %add3A_384 = arith.addi %mul3A_382, %add3A_383 : i32
        %get3A_385 = arith.index_cast %add3A_384 : i32 to index
        %get3A_386 = arith.constant 0 : index
        %get3A_387 = tpu.vector_load %arg7[%get3A_385, %get3A_386] {strides = array<i32>} : memref<128x128xf32, #tpu.memory_space<vmem>>, vector<1x16xf32>,
        %get3A_388 = vector.shape_cast %get3A_387 : vector<1x16xf32> to vector<16xf32>
        %swap3A_389 = arith.index_cast %add3A_384 : i32 to index
        %swap3A_390 = arith.constant 0 : index
        %swap3A_391 = tpu.vector_load %arg9[%swap3A_389, %swap3A_390] {strides = array<i32>} : memref<128x64xf32, #tpu.memory_space<vmem>>, vector<1x16xf32>,
        %swap3A_392 = vector.shape_cast %swap3A_391 : vector<1x16xf32> to vector<16xf32>
        %swap3A_393 = vector.shape_cast %get3A_388 : vector<16xf32> to vector<1x16xf32>
        tpu.vector_store %arg9[%swap3A_389, %swap3A_390], %swap3A_393 {strides = array<i32>} : memref<128x64xf32, #tpu.memory_space<vmem>>, vector<1x16xf32>,
        %get3A_394 = arith.index_cast %add3A_384 : i32 to index
        %get3A_395 = arith.constant 16 : index
        %get3A_396 = tpu.vector_load %arg7[%get3A_394, %get3A_395] {strides = array<i32>} : memref<128x128xf32, #tpu.memory_space<vmem>>, vector<1x16xf32>,
        %get3A_397 = vector.shape_cast %get3A_396 : vector<1x16xf32> to vector<16xf32>
        %swap3A_398 = arith.index_cast %add3A_384 : i32 to index
        %swap3A_399 = arith.constant 16 : index
        %swap3A_400 = tpu.vector_load %arg9[%swap3A_398, %swap3A_399] {strides = array<i32>} : memref<128x64xf32, #tpu.memory_space<vmem>>, vector<1x16xf32>,
        %swap3A_401 = vector.shape_cast %swap3A_400 : vector<1x16xf32> to vector<16xf32>
        %swap3A_402 = vector.shape_cast %get3A_397 : vector<16xf32> to vector<1x16xf32>
        tpu.vector_store %arg9[%swap3A_398, %swap3A_399], %swap3A_402 {strides = array<i32>} : memref<128x64xf32, #tpu.memory_space<vmem>>, vector<1x16xf32>,
        %get3A_403 = arith.index_cast %add3A_384 : i32 to index
        %get3A_404 = arith.constant 32 : index
        %get3A_405 = tpu.vector_load %arg7[%get3A_403, %get3A_404] {strides = array<i32>} : memref<128x128xf32, #tpu.memory_space<vmem>>, vector<1x16xf32>,
        %get3A_406 = vector.shape_cast %get3A_405 : vector<1x16xf32> to vector<16xf32>
        %swap3A_407 = arith.index_cast %add3A_384 : i32 to index
        %swap3A_408 = arith.constant 32 : index
        %swap3A_409 = tpu.vector_load %arg9[%swap3A_407, %swap3A_408] {strides = array<i32>} : memref<128x64xf32, #tpu.memory_space<vmem>>, vector<1x16xf32>,
        %swap3A_410 = vector.shape_cast %swap3A_409 : vector<1x16xf32> to vector<16xf32>
        %swap3A_411 = vector.shape_cast %get3A_406 : vector<16xf32> to vector<1x16xf32>
        tpu.vector_store %arg9[%swap3A_407, %swap3A_408], %swap3A_411 {strides = array<i32>} : memref<128x64xf32, #tpu.memory_space<vmem>>, vector<1x16xf32>,
        %get3A_412 = arith.index_cast %add3A_384 : i32 to index
        %get3A_413 = arith.constant 48 : index
        %get3A_414 = tpu.vector_load %arg7[%get3A_412, %get3A_413] {strides = array<i32>} : memref<128x128xf32, #tpu.memory_space<vmem>>, vector<1x16xf32>,
        %get3A_415 = vector.shape_cast %get3A_414 : vector<1x16xf32> to vector<16xf32>
        %swap3A_416 = arith.index_cast %add3A_384 : i32 to index
        %swap3A_417 = arith.constant 48 : index
        %swap3A_418 = tpu.vector_load %arg9[%swap3A_416, %swap3A_417] {strides = array<i32>} : memref<128x64xf32, #tpu.memory_space<vmem>>, vector<1x16xf32>,
        %swap3A_419 = vector.shape_cast %swap3A_418 : vector<1x16xf32> to vector<16xf32>
        %swap3A_420 = vector.shape_cast %get3A_415 : vector<16xf32> to vector<1x16xf32>
        tpu.vector_store %arg9[%swap3A_416, %swap3A_417], %swap3A_420 {strides = array<i32>} : memref<128x64xf32, #tpu.memory_space<vmem>>, vector<1x16xf32>,
      }
      %scan3A_86 = arith.constant 16 : i32
      %mul3A_87 = arith.constant 128 : i32
      %mul3A_88 = arith.muli %add3A_68, %mul3A_87 : i32
      %multiple_of3A_89 = tpu.assume_multiple %mul3A_88, 128 : i32
      %add3A_90 = arith.addi %mul3A_2, %multiple_of3A_89 : i32
      %dma_start3A_91 = arith.constant 0 : i32
      %dma_start3A_92 = tpu.memref_slice %arg4[%add3A_90, %dma_start3A_91] : memref<819200x64xf32, #tpu.memory_space<hbm>> -> memref<128x64xf32, #tpu.memory_space<hbm>>
      %dma_start3A_93 = arith.constant 0 : i32
      %dma_start3A_94 = tpu.memref_slice %arg4[%add3A_90, %dma_start3A_93] : memref<819200x64xf32, #tpu.memory_space<hbm>> -> memref<128x64xf32, #tpu.memory_space<hbm>>
      tpu.enqueue_dma source(%arg9 : memref<128x64xf32, #tpu.memory_space<vmem>>) target(%dma_start3A_94 : memref<128x64xf32, #tpu.memory_space<hbm>>) target_semaphore(%arg13 : memref<!tpu.dma_semaphore, #tpu.memory_space<semaphore_mem>>)
      %add3A_95 = arith.constant 2 : i32
      %add3A_96 = arith.addi %add3A_68, %add3A_95 : i32
      %lt3A_97 = arith.constant 200 : i32
      %lt3A_98 = arith.cmpi slt, %add3A_96, %lt3A_97 : i32
      %convert_element_type3A_99 = arith.extui %lt3A_98 : i1 to i32
      %cond3A_100 = arith.constant 0 : i32
      %cond3A_101 = arith.cmpi ne, %convert_element_type3A_99, %cond3A_100 : i32
      scf.if %cond3A_101 {
        %add3A_102 = arith.constant 2 : i32
        %add3A_103 = arith.addi %add3A_68, %add3A_102 : i32
        %mul3A_104 = arith.constant 128 : i32
        %mul3A_105 = arith.muli %add3A_103, %mul3A_104 : i32
        %multiple_of3A_106 = tpu.assume_multiple %mul3A_105, 128 : i32
        %dma_start3A_107 = tpu.memref_slice %arg5[%multiple_of3A_106] : memref<25600xi32, #tpu.memory_space<vmem>> -> memref<128xi32, #tpu.memory_space<vmem>>
        %dma_start3A_108 = arith.constant 0 : i32
        %dma_start3A_109 = arith.constant 0 : i32
        %dma_start3A_110 = tpu.memref_slice %arg2[%dma_start3A_108, %dma_start3A_109] : memref<1000000x128xf32, #tpu.memory_space<hbm>> -> memref<1000000x128xf32, #tpu.memory_space<hbm>>
        tpu.enqueue_indirect_dma source(%dma_start3A_110 : memref<1000000x128xf32, #tpu.memory_space<hbm>>) target(%arg7 : memref<128x128xf32, #tpu.memory_space<vmem>>) offsets(%dma_start3A_107 : memref<128xi32, #tpu.memory_space<vmem>>) semaphore(%arg11 : memref<!tpu.dma_semaphore, #tpu.memory_space<semaphore_mem>>)
      } else {
      }
    }
    %scan3A_17 = arith.constant 100 : i32
    %multiple_of3A_18 = arith.constant 25344 : i32
    %multiple_of3A_19 = tpu.assume_multiple %multiple_of3A_18, 128 : i32
    %add3A_20 = arith.addi %mul3A_2, %multiple_of3A_19 : i32
    %dma_wait3A = arith.constant 0 : i32
    %dma_wait3A_21 = tpu.memref_slice %arg4[%add3A_20, %dma_wait3A] : memref<819200x64xf32, #tpu.memory_space<hbm>> -> memref<128x64xf32, #tpu.memory_space<hbm>>
    %dma_wait3A_22 = arith.constant 0 : i32
    %dma_wait3A_23 = tpu.memref_slice %arg4[%add3A_20, %dma_wait3A_22] : memref<819200x64xf32, #tpu.memory_space<hbm>> -> memref<128x64xf32, #tpu.memory_space<hbm>>
    tpu.wait_dma2 semaphore(%arg12 : memref<!tpu.dma_semaphore, #tpu.memory_space<semaphore_mem>>) src(%arg8 : memref<128x64xf32, #tpu.memory_space<vmem>>) dst(%dma_wait3A_23 : memref<128x64xf32, #tpu.memory_space<hbm>>)
    %multiple_of3A_24 = arith.constant 25472 : i32
    %multiple_of3A_25 = tpu.assume_multiple %multiple_of3A_24, 128 : i32
    %add3A_26 = arith.addi %mul3A_2, %multiple_of3A_25 : i32
    %dma_wait3A_27 = arith.constant 0 : i32
    %dma_wait3A_28 = tpu.memref_slice %arg4[%add3A_26, %dma_wait3A_27] : memref<819200x64xf32, #tpu.memory_space<hbm>> -> memref<128x64xf32, #tpu.memory_space<hbm>>
    %dma_wait3A_29 = arith.constant 0 : i32
    %dma_wait3A_30 = tpu.memref_slice %arg4[%add3A_26, %dma_wait3A_29] : memref<819200x64xf32, #tpu.memory_space<hbm>> -> memref<128x64xf32, #tpu.memory_space<hbm>>
    tpu.wait_dma2 semaphore(%arg13 : memref<!tpu.dma_semaphore, #tpu.memory_space<semaphore_mem>>) src(%arg9 : memref<128x64xf32, #tpu.memory_space<vmem>>) dst(%dma_wait3A_30 : memref<128x64xf32, #tpu.memory_space<hbm>>)
    return
  }
}

</mosaic_0001>

<sc_bundles>
// kernel: kernel.3.cloned.1.call-start
scs
__scs_entry_jumppad:
0x0: {  	(pc) =	sbr.rel $0x88, $3  }
0x1: {  	(tag) =	ssettag $0x0;
	lr =	simm.s32 $0x1  }
0x2: {  	[smem:$0x3F9F] =	sst lr;
	_ =	strace $0xD0000000  }
0x3: {  	_ = 	snop  }
0x4: {  	_ = 	snop  }
0x5: {  	_ = 	snop  }
0x6: {  	_ = 	snop  }
0x7: {  	_ = 	snop  }
__scs_overlays_trampoline_lowered:
0x8: {  	[smem:$0x3FAE] =	sst s0  }
0x9: {  	[smem:$0x3FAF] =	sst s1  }
0xa: {  	[smem:$0x3FB0] =	sst s2  }
0xb: {  	[smem:$0x3FB1] =	sst s3  }
0xc: {  	[smem:$0x3FB2] =	sst s4  }
0xd: {  	[smem:$0x3FB3] =	sst s5  }
0xe: {  	[smem:$0x3FB4] =	sst s6  }
0xf: {  	[smem:$0x3FB5] =	sst s7  }
0x10: {  	[smem:$0x3FB6] =	sst s8  }
0x11: {  	[smem:$0x3FB7] =	sst s9;
	s0 =	simm.s32 @!p0 $0x0  }
0x12: {  	s1 =	sld [smem:$0x3F9D];
	s0 =	simm.s32 @p0 $0x1  }
0x13: {  	[smem:$0x3FB8] =	sst s0;
	s0 =	simm.s32 @!p1 $0x0  }
0x14: {  	s2 =	sld [smem:$0x3F9C];
	s0 =	simm.s32 @p1 $0x1  }
0x15: {  	[smem:$0x3FB9] =	sst s0;
	s0 =	simm.s32 @!p2 $0x0  }
0x16: {  	s3 =	sld [smem:$0x3FDB];
	s0 =	simm.s32 @p2 $0x1  }
0x17: {  	s4 =	simm.s32 $0x1BF5;
	[smem:$0x3FBB] =	sst s0  }
0x18: {  	s0 =	sld [smem:$0x3F9E];
	_ =	swait.ge [sflag:s4], $0x0  }
0x19: {  	s7 =	sld [smem:$0x3F9F]  }
0x1a: {  	s8 =	sadd.s32 $0xFFFFE003, lr  }
0x1b: {  	s9 =	sadd.s32 $0xFFFFFEF7, lr;
	s5 =	simm.s32 $0xFFFFFFFF;
	p2 =	slt.u32 s8, $0xFFFFF086  }
0x1c: {  	p1 =	slt.u32 s9, $0xF7A;
	s5 =	simm.s32 @!p2 $0x0  }
0x1d: {  	s5 =	simm.s32 @p1 $0x1;
	p0 =	seq.s32 s7, s2  }
0x1e: {  	s7 =	smul.u32 @!p0 $0xF7A, s2;
	p2 =	seq.s32 @!p0 s5, $0x0  }
0x1f: {  	s9 =	smul.u32 $0xF7A, s1;
	s8 =	simm.s32 @!p0 $0x1BF5;
	p2 =	por !p2, p0  }
0x20: {  	[sflag:s8] =	ssyncset.s32 @!p0 $0xFFFFF086;
	s6 =	sadd.s32 @!p0 s3, s7;
	s7 =	simm.s32 @!p0 $0x108  }
0x21: {  	s3 =	sadd.s32 s3, s9;
	s6 =	sadd.s32 @!p0 $0x88, s6;
	s7 =	simm.s32 @p2 $0x1082  }
0x22: {  	[simem:s7], [sflag:s8] =	dma.local @!p0 [hbm:s6], $0xF7A  }
0x23: {  	s9 =	sor.u32 $0xD0000000, s2;
	s6 =	simm.s32 $0x108;
	_ =	swait.ge @!p0 [sflag:s8], $0x0  }
0x24: {  	s3 =	sadd.s32 $0x88, s3;
	s6 =	simm.s32 @!p1 $0x1082;
	[sflag:s4] =	ssyncset.s32 $0xFFFFF086  }
0x25: {  	[simem:s6], [sflag:s4] =	dma.local [hbm:s3], $0xF7A  }
0x26: {  	[smem:$0x3F9F] =	sst s1;
	(tag) =	ssettag s2;
	_ =	strace s9  }
0x27: {  	s1 =	sld [smem:$0x3FAF]  }
0x28: {  	s2 =	sld [smem:$0x3FB0]  }
0x29: {  	s4 =	sld [smem:$0x3FB2]  }
0x2a: {  	p0 =	seq.s32 s5, $0x0;
	s5 =	sld [smem:$0x3FB3]  }
0x2b: {  	s6 =	sld [smem:$0x3FB4]  }
0x2c: {  	s7 =	sld [smem:$0x3FB5]  }
0x2d: {  	s3 =	simm.s32 $0x108;
	s8 =	sld [smem:$0x3FB6]  }
0x2e: {  	s3 =	simm.s32 @!p0 $0x1082;
	s9 =	sld [smem:$0x3FB7]  }
0x2f: {  	lr =	sadd.s32 s0, s3;
	s0 =	sld [smem:$0x3FAE]  }
0x30: {  	s3 =	sld [smem:$0x3FB1]  }
0x31: {  	[smem:$0x3FBA] =	sst s10  }
0x32: {  	s10 =	sld [smem:$0x3FB8];
	_ =	sdelay $0x3  }
0x33: {  	p0 =	seq.s32 s10, $0x1;
	s10 =	sld [smem:$0x3FBA];
	_ =	sdelay $0x3  }
0x34: {  	[smem:$0x3FBA] =	sst s10  }
0x35: {  	s10 =	sld [smem:$0x3FB9];
	_ =	sdelay $0x3  }
0x36: {  	p1 =	seq.s32 s10, $0x1;
	s10 =	sld [smem:$0x3FBA];
	_ =	sdelay $0x3  }
0x37: {  	[smem:$0x3FBA] =	sst s10  }
0x38: {  	s10 =	sld [smem:$0x3FBB]  }
0x39: {  	_ = 	snop;
	(pc) =	sbr.ind lr, $3  }
0x3a: {  	_ = 	snop  }
0x3b: {  	_ = 	snop  }
0x3c: {  	p2 =	seq.s32 s10, $0x1;
	s10 =	sld [smem:$0x3FBA]  }
0x3d: {  	_ =	shalt  }
0x3e: {  	_ =	shalt  }
0x3f: {  	_ =	shalt  }
0x40: {  	_ =	shalt  }
0x41: {  	_ =	shalt  }
0x42: {  	_ =	shalt  }
0x43: {  	_ =	shalt  }
0x44: {  	_ =	shalt  }
0x45: {  	_ =	shalt  }
0x46: {  	_ =	shalt  }
0x47: {  	_ =	shalt  }
0x48: {  	_ =	shalt  }
0x49: {  	_ =	shalt  }
0x4a: {  	_ =	shalt  }
0x4b: {  	_ =	shalt  }
0x4c: {  	_ =	shalt  }
0x4d: {  	_ =	shalt  }
0x4e: {  	_ =	shalt  }
0x4f: {  	_ =	shalt  }
0x50: {  	_ =	shalt  }
0x51: {  	_ =	shalt  }
0x52: {  	_ =	shalt  }
0x53: {  	_ =	shalt  }
0x54: {  	_ =	shalt  }
0x55: {  	_ =	shalt  }
0x56: {  	_ =	shalt  }
0x57: {  	_ =	shalt  }
0x58: {  	_ =	shalt  }
0x59: {  	_ =	shalt  }
0x5a: {  	_ =	shalt  }
0x5b: {  	_ =	shalt  }
0x5c: {  	_ =	shalt  }
0x5d: {  	_ =	shalt  }
0x5e: {  	_ =	shalt  }
0x5f: {  	_ =	shalt  }
0x60: {  	_ =	shalt  }
0x61: {  	_ =	shalt  }
0x62: {  	_ =	shalt  }
0x63: {  	_ =	shalt  }
0x64: {  	_ =	shalt  }
0x65: {  	_ =	shalt  }
0x66: {  	_ =	shalt  }
0x67: {  	_ =	shalt  }
0x68: {  	_ =	shalt  }
0x69: {  	_ =	shalt  }
0x6a: {  	_ =	shalt  }
0x6b: {  	_ =	shalt  }
0x6c: {  	_ =	shalt  }
0x6d: {  	_ =	shalt  }
0x6e: {  	_ =	shalt  }
0x6f: {  	_ =	shalt  }
0x70: {  	_ =	shalt  }
0x71: {  	_ =	shalt  }
0x72: {  	_ =	shalt  }
0x73: {  	_ =	shalt  }
0x74: {  	_ =	shalt  }
0x75: {  	_ =	shalt  }
0x76: {  	_ =	shalt  }
0x77: {  	_ =	shalt  }
0x78: {  	_ =	shalt  }
0x79: {  	_ =	shalt  }
0x7a: {  	_ =	shalt  }
0x7b: {  	_ =	shalt  }
0x7c: {  	_ =	shalt  }
0x7d: {  	_ =	shalt  }
0x7e: {  	_ =	shalt  }
0x7f: {  	_ =	shalt  }
0x80: {  	_ =	shalt  }
0x81: {  	_ =	shalt  }
0x82: {  	_ =	shalt  }
0x83: {  	_ =	shalt  }
0x84: {  	_ =	shalt  }
0x85: {  	_ =	shalt  }
0x86: {  	_ =	shalt  }
0x87: {  	_ =	shalt  }
.Lfunc_end0:
.L_simem_size_0:
called_computation.1_lowered:
.L_overlay_start_0:
0x88: {  	s2 =	sld [smem:$0x3FD9]  }
0x89: {  	s3 =	sld [smem:$0x3FFE];
	_ =	sdelay $0x1  }
0x8a: {  	s1 =	srdreg.scid  }
0x8b: {  	s0 =	sand.u32 $0x1, s1  }
0x8c: {  	s17 =	sshll.u32 s0, $0xA;
	s2 =	sadd.s32 s3, s2  }
0x8d: {  	s2 =	sadd.s32 s2, s17  }
0x8e: {  	[smem:$0x3FC6] =	sst s2  }
0x8f: {  	_ = 	snop  }
0x90: {  	s2 =	sld [smem:$0x3FD0];
	(tm) =	ssettm $0x1  }
0x91: {  	s18 =	sld [smem:$0x3FFB];
	_ =	sdelay $0x3  }
0x92: {  	_ =	strace s18  }
0x93: {  	s3 =	sld [smem:$0x3FFC];
	_ =	sdelay $0x3  }
0x94: {  	_ =	strace s3  }
0x95: {  	s3 =	sld [smem:$0x3FFD];
	_ =	sdelay $0x3  }
0x96: {  	_ =	strace s3  }
0x97: {  	_ =	strace $0x8FFFFFFF  }
0x98: {  	s19 =	sld [smem:$0x3FDB];
	_ =	sdelay $0x1  }
0x99: {  	s4 =	simm.s32 $_scs_section_size  }
0x9a: {  	s5 =	simm.s32 $_size__tile_overlayer_lowered;
	s6 =	simm.s32 $_tile_overlayer_lowered  }
0x9b: {  	s22 =	simm.s32 $0x1BFF;
	s21 =	sshll.u32 s6, $0x1;
	s3 =	sadd.s32 s4, s19  }
0x9c: {  	s7 =	simm.s32 $0x0;
	s20 =	sshll.u32 s5, $0x1;
	s5 =	sadd.s32 s21, s3  }
0x9d: {  	[timem:s7], [sflag:s22] =	dma.local [hbm:s5], s20  }
0x9e: {  	_ =	swait.ge [sflag:s22], s20  }
0x9f: {  	s4 =	ssub.s32 $0x0, s20;
	[sflag:s22] =	ssyncset.done $0x0  }
0xa0: {  	[sflag:s22] =	ssyncadd.s32 s4;
	_ =	sdelay $0x1  }
0xa1: {  	s23 =	simm.s32 $0x1B8B  }
0xa2: {  	_ =	swait.ge [sflag:s23], $0x1  }
0xa3: {  	[sflag:s23] =	ssyncset.done $0x0  }
0xa4: {  	s25 =	simm.s32 $0x1B8E;
	s24 =	sld [smem:$0x3FFE];
	[sflag:s23] =	ssyncadd.s32 $0xFFFFFFFF  }
0xa5: {  	s26 =	simm.s32 $execute0_lowered;
	[smem:$0x3FD2] =	sst s25  }
0xa6: {  	s5 =	sshll.u32 s26, $0x1;
	_ =	strace $0x80000046;
	[dreg:$0x1] =	wrdreg $0xFFFFFFFF  }
0xa7: {  	s28 =	simm.s32 $_size_execute0_lowered;
	s3 =	sadd.s32 s3, s5;
	[dreg:$0x0] =	wrdreg $0x0  }
0xa8: {  	s5 =	sshll.u32 s28, $0x1;
	[dreg:$0x2] =	wrdreg s3  }
0xa9: {  	[dreg:$0x3] =	wrdreg s5  }
0xaa: {  	[dreg:$0x4] =	wrdreg $0xC0  }
0xab: {  	_ =	task [dreg:s7], $0x5FFFF  }
0xac: {  	[dreg:$0x1] =	wrdreg $0xFFFFFFFF  }
0xad: {  	[dreg:$0x0] =	wrdreg $0x60  }
0xae: {  	[dreg:$0x2] =	wrdreg s24  }
0xaf: {  	[dreg:$0x3] =	wrdreg s2  }
0xb0: {  	[dreg:$0x4] =	wrdreg $0x9  }
0xb1: {  	_ =	task.clear_ibuf [dreg:s7], $0x5FFFF;
	_ =	strace $0x90000046  }
0xb2: {  	s29 =	simm.s32 $0x9;
	_ =	strace $0x80000048  }
0xb3: {  	_ =	swait.ge [sflag:s29], $0x1  }
0xb4: {  	[sflag:s29] =	ssyncadd.s32 $0xFFFFFFFF  }
0xb5: {  	_ =	strace $0x90000048  }
0xb6: {  	_ =	sfence  }
0xb7: {  	s30 =	sld [smem:$0x0];
	_ =	sdelay $0x2  }
0xb8: {  	s31 =	sshll.u32 s1, $0xD;
	s1 =	sshrl.u32 s1, $0x2  }
0xb9: {  	s3 =	sand.u32 $0x4000, s31;
	s1 =	sadd.s32 s1, s30  }
0xba: {  	s0 =	sor.u32 s3, s0;
	s1 =	sshll.u32 s1, $0x11  }
0xbb: {  	s0 =	sor.u32 s1, s0  }
0xbc: {  	s0 =	sadd.s32 $0x8F2B, s0  }
0xbd: {  	[sflag:s0] =	ssyncadd.remote.s32 $0x1  }
0xbe: {  	_ =	sfence.sel $0xFFFF  }
0xbf: {  	[dreg:$0x0] =	wrdreg $0xFFFFFFFF;
	(pc) =	sbr.abs _section_cstart, $3  }
0xc0: {  	[dreg:$0x1] =	wrdreg $0xFFFFFFFF  }
0xc1: {  	_ =	task.clear_ibuf [dreg:s7], $0x2FFFF;
	_ =	strace $0x9FFFFFFF  }
0xc2: {  	(tm) =	ssettm $0x7FFFFFFF  }
0xc3: {  	_ =	shalt  }
tec
execute0_lowered:
.L_overlay_start_1:
0x0: {  	(tag) =	ssettag $0x1  }
0x1: {  	s4 =	rddreg [dreg:$0x0]  }
0x2: {  	s5 =	rddreg [dreg:$0x1]  }
0x3: {  	s0 =	rddreg [dreg:$0x2]  }
0x4: {  	s3 =	srdreg.scid;
	s1 =	stileid.u32  }
0x5: {  	s2 =	simm.s32 $0x0;
	s11 =	simm.s32 $0x6400;
	s12 =	simm.s32 $0xA400  }
0x6: {  	s13 =	simm.s32 $0x1;
	s14 =	simm.s32 $0xE400;
	s15 =	simm.s32 $0x2  }
0x7: {  	s16 =	simm.s32 $0x4;
	s3 =	sand.u32 $0x1, s3;
	s6 =	sshll.u32 s1, $0x1  }
0x8: {  	s17 =	simm.s32 $0x12400;
	s18 =	simm.s32 $0x3;
	s6 =	sor.u32 s3, s6  }
0x9: {  	s19 =	simm.s32 $0x0;
	[smem:$0x7FF] =	sst s2;
	s8 =	smul.u32 $0xC80, s6  }
.Ltmp0:
0xa: {  	_ =	strace $0x80000047;
	s7 =	ssub.s32 $0x2, s3;
	(pc) =	sbr.rel .LBB2_1-.Ltmp0, $4  }
0xb: {  	s3 =	sadd.s32 $0xF42E00, s4;
	s9 =	sshrl.u32 s7, $0x1;
	s10 =	smul.u32 $0x64000, s6  }
0xc: {  	s4 =	sadd.s32 $0xA00, s4;
	s6 =	smul.u32 $0x320000, s6;
	s7 =	ssub.s32 s7, s9  }
0xd: {  	s9 =	simm.s32 $0x5;
	s5 =	sadd.s32 s5, s8;
	s31 =	sadd.s32 s10, s4  }
0xe: {  	s7 =	smax.u32 s7, $0x1;
	s10 =	simm.s32 $0x80;
	s8 =	sadd.s32 $0x800, s31  }
.LBB2_12:
0xf: {  	s19 =	sadd.s32 $0x1, s19  }
0x10: {  	_ =	swait.ge [sflag:s18], $0x4000;
	p0 =	sne.s32 s19, s7  }
.Ltmp1:
0x11: {  	[sflag:s18] =	ssyncset.done $0x0;
	(pc) =	sbr.rel @!p0 .LBB2_13-.Ltmp1, $4  }
0x12: {  	[sflag:s18] =	ssyncadd.s32 $0xFFFFC000  }
0x13: {  	_ =	swait.ge [sflag:s16], $0x4000  }
0x14: {  	[sflag:s16] =	ssyncset.done $0x0  }
0x15: {  	[sflag:s16] =	ssyncadd.s32 $0xFFFFC000  }
.LBB2_1:
0x16: {  	[tilespmem:s2], [sflag:$0x5] =	stream.linear.gather [hbm4b:s5+s2], $0x6400, $0x38;
	[tilespmem:$0x16400] =	vst v63  }
0x17: {  	_ =	swait.ge [sflag:s9], $0x6400  }
0x18: {  	[sflag:s9] =	ssyncset.done $0x0  }
0x19: {  	[sflag:s9] =	ssyncadd.s32 $0xFFFF9C00  }
0x1a: {  	[tilespmem:s11], [sflag:$0x1] =	stream.indirect.gather [hbm4b:s3+s10], $0x80, s2, s10, $0xb8;
	[tilespmem:$0x16400] =	vst v63  }
0x1b: {  	s20 =	simm.s32 $0x0  }
0x1c: {  	[tilespmem:s12], [sflag:$0x2] =	stream.indirect.gather [hbm4b:s3+s10], $0x80, s10, s10, $0xb8;
	[tilespmem:$0x16400] =	vst v63  }
.LBB2_2:
0x1d: {  	_ =	swait.ge [sflag:s13], $0x4000  }
0x1e: {  	p0 =	seq.s32 s20, $0x0;
	[sflag:s13] =	ssyncset.done $0x0  }
0x1f: {  	s21 =	simm.s32 @!p0 $0x3;
	[sflag:s13] =	ssyncadd.s32 $0xFFFFC000  }
0x20: {  	_ =	swait.ge @!p0 [sflag:s21], $0x4000  }
0x21: {  	[sflag:s21] =	ssyncset.done @!p0 $0x0  }
0x22: {  	s22 =	simm.s32 $0x0;
	[sflag:s21] =	ssyncadd.s32 @!p0 $0xFFFFC000  }
0x23: {  	v0 =	vld [tilespmem:s22+$0x67B0]  }
0x24: {  	v1 =	vld [tilespmem:s22+$0x6400]  }
0x25: {  	v2 =	vld [tilespmem:s22+$0x6410]  }
0x26: {  	v3 =	vld [tilespmem:s22+$0x6420]  }
0x27: {  	v4 =	vld [tilespmem:s22+$0x6430]  }
0x28: {  	v5 =	vld [tilespmem:s22+$0x6480];
	[tilespmem:s22+$0xE7B0] =	vst v0  }
0x29: {  	[tilespmem:s22+$0xE400] =	vst v1;
	v0 =	vld [tilespmem:s22+$0x6490]  }
0x2a: {  	[tilespmem:s22+$0xE410] =	vst v2;
	v1 =	vld [tilespmem:s22+$0x64A0]  }
0x2b: {  	[tilespmem:s22+$0xE420] =	vst v3;
	v2 =	vld [tilespmem:s22+$0x64B0]  }
0x2c: {  	[tilespmem:s22+$0xE430] =	vst v4;
	v3 =	vld [tilespmem:s22+$0x6500]  }
0x2d: {  	[tilespmem:s22+$0xE480] =	vst v5;
	v4 =	vld [tilespmem:s22+$0x6510]  }
0x2e: {  	v5 =	vld [tilespmem:s22+$0x6710];
	[tilespmem:s22+$0xE490] =	vst v0  }
0x2f: {  	v0 =	vld [tilespmem:s22+$0x6520];
	[tilespmem:s22+$0xE4A0] =	vst v1  }
0x30: {  	v1 =	vld [tilespmem:s22+$0x6530];
	[tilespmem:s22+$0xE4B0] =	vst v2  }
0x31: {  	v2 =	vld [tilespmem:s22+$0x6580];
	[tilespmem:s22+$0xE500] =	vst v3  }
0x32: {  	v3 =	vld [tilespmem:s22+$0x6590];
	[tilespmem:s22+$0xE510] =	vst v4  }
0x33: {  	v4 =	vld [tilespmem:s22+$0x65A0];
	[tilespmem:s22+$0xE710] =	vst v5  }
0x34: {  	[tilespmem:s22+$0xE520] =	vst v0;
	v0 =	vld [tilespmem:s22+$0x65B0]  }
0x35: {  	[tilespmem:s22+$0xE530] =	vst v1;
	v1 =	vld [tilespmem:s22+$0x6600]  }
0x36: {  	[tilespmem:s22+$0xE580] =	vst v2;
	v2 =	vld [tilespmem:s22+$0x6610]  }
0x37: {  	[tilespmem:s22+$0xE590] =	vst v3;
	v3 =	vld [tilespmem:s22+$0x6620]  }
0x38: {  	[tilespmem:s22+$0xE5A0] =	vst v4;
	v4 =	vld [tilespmem:s22+$0x6630]  }
0x39: {  	[tilespmem:s22+$0xE5B0] =	vst v0;
	v0 =	vld [tilespmem:s22+$0x6680]  }
0x3a: {  	[tilespmem:s22+$0xE600] =	vst v1;
	v1 =	vld [tilespmem:s22+$0x6690]  }
0x3b: {  	[tilespmem:s22+$0xE610] =	vst v2;
	v2 =	vld [tilespmem:s22+$0x66A0]  }
0x3c: {  	[tilespmem:s22+$0xE620] =	vst v3;
	v3 =	vld [tilespmem:s22+$0x66B0]  }
0x3d: {  	[tilespmem:s22+$0xE630] =	vst v4;
	v4 =	vld [tilespmem:s22+$0x6700]  }
0x3e: {  	[tilespmem:s22+$0xE680] =	vst v0;
	v0 =	vld [tilespmem:s22+$0x6720]  }
0x3f: {  	[tilespmem:s22+$0xE690] =	vst v1;
	v1 =	vld [tilespmem:s22+$0x6730]  }
0x40: {  	[tilespmem:s22+$0xE6A0] =	vst v2;
	v2 =	vld [tilespmem:s22+$0x6780]  }
0x41: {  	[tilespmem:s22+$0xE6B0] =	vst v3;
	v3 =	vld [tilespmem:s22+$0x6790]  }
0x42: {  	s24 =	simm.s32 $0x400;
	s23 =	simm.s32 $0x2000;
	s21 =	sshll.u32 s20, $0xA;
	[tilespmem:s22+$0xE700] =	vst v4;
	v4 =	vld [tilespmem:s22+$0x67A0]  }
.LBB2_3:
0x43: {  	p1 =	sne.s32 s23, $0xF000;
	v5 =	vld [tilespmem:s24+$0x67B0];
	[tilespmem:s22+$0xE720] =	vst v0  }
0x44: {  	v0 =	vld [tilespmem:s24+$0x6400];
	[tilespmem:s22+$0xE730] =	vst v1  }
0x45: {  	v1 =	vld [tilespmem:s24+$0x6410];
	[tilespmem:s22+$0xE780] =	vst v2  }
0x46: {  	v2 =	vld [tilespmem:s24+$0x6420];
	[tilespmem:s22+$0xE790] =	vst v3  }
0x47: {  	v3 =	vld [tilespmem:s24+$0x6430];
	[tilespmem:s22+$0xE7A0] =	vst v4;
	s22 =	smov.u32 s24  }
0x48: {  	v4 =	vld [tilespmem:s22+$0x6480];
	[tilespmem:s22+$0xE7B0] =	vst v5  }
0x49: {  	[tilespmem:s22+$0xE400] =	vst v0;
	v0 =	vld [tilespmem:s22+$0x6490]  }
0x4a: {  	[tilespmem:s22+$0xE410] =	vst v1;
	v1 =	vld [tilespmem:s22+$0x64A0]  }
0x4b: {  	[tilespmem:s22+$0xE420] =	vst v2;
	v2 =	vld [tilespmem:s22+$0x64B0]  }
0x4c: {  	[tilespmem:s22+$0xE430] =	vst v3;
	v3 =	vld [tilespmem:s22+$0x6500]  }
0x4d: {  	[tilespmem:s22+$0xE480] =	vst v4;
	v4 =	vld [tilespmem:s22+$0x6510]  }
0x4e: {  	[tilespmem:s22+$0xE490] =	vst v0;
	v0 =	vld [tilespmem:s22+$0x6520]  }
0x4f: {  	[tilespmem:s22+$0xE4A0] =	vst v1;
	v1 =	vld [tilespmem:s22+$0x6530]  }
0x50: {  	[tilespmem:s22+$0xE4B0] =	vst v2;
	v2 =	vld [tilespmem:s22+$0x6580]  }
0x51: {  	[tilespmem:s22+$0xE500] =	vst v3;
	v3 =	vld [tilespmem:s22+$0x6590]  }
0x52: {  	[tilespmem:s22+$0xE510] =	vst v4;
	v4 =	vld [tilespmem:s22+$0x65A0]  }
0x53: {  	[tilespmem:s22+$0xE520] =	vst v0;
	v0 =	vld [tilespmem:s22+$0x65B0]  }
0x54: {  	[tilespmem:s22+$0xE530] =	vst v1;
	v1 =	vld [tilespmem:s22+$0x6600]  }
0x55: {  	[tilespmem:s22+$0xE580] =	vst v2;
	v2 =	vld [tilespmem:s22+$0x6610]  }
0x56: {  	[tilespmem:s22+$0xE590] =	vst v3;
	v3 =	vld [tilespmem:s22+$0x6620]  }
0x57: {  	[tilespmem:s22+$0xE5A0] =	vst v4;
	v4 =	vld [tilespmem:s22+$0x6630]  }
0x58: {  	[tilespmem:s22+$0xE5B0] =	vst v0;
	v0 =	vld [tilespmem:s22+$0x6680]  }
0x59: {  	[tilespmem:s22+$0xE600] =	vst v1;
	v1 =	vld [tilespmem:s22+$0x6690]  }
0x5a: {  	[tilespmem:s22+$0xE610] =	vst v2;
	v2 =	vld [tilespmem:s22+$0x66A0]  }
0x5b: {  	[tilespmem:s22+$0xE620] =	vst v3;
	v3 =	vld [tilespmem:s22+$0x66B0]  }
0x5c: {  	[tilespmem:s22+$0xE630] =	vst v4;
	v4 =	vld [tilespmem:s22+$0x6700]  }
0x5d: {  	[tilespmem:s22+$0xE680] =	vst v0;
	v5 =	vld [tilespmem:s22+$0x6710]  }
.Ltmp2:
0x5e: {  	[tilespmem:s22+$0xE690] =	vst v1;
	v0 =	vld [tilespmem:s22+$0x6720];
	(pc) =	sbr.rel @p1 .LBB2_3-.Ltmp2, $4  }
0x5f: {  	[tilespmem:s22+$0xE6A0] =	vst v2;
	v1 =	vld [tilespmem:s22+$0x6730]  }
0x60: {  	[tilespmem:s22+$0xE6B0] =	vst v3;
	v2 =	vld [tilespmem:s22+$0x6780]  }
0x61: {  	[tilespmem:s22+$0xE700] =	vst v4;
	v3 =	vld [tilespmem:s22+$0x6790]  }
0x62: {  	s24 =	sshra.s32 s23, $0x2;
	s23 =	sadd.s32 $0x1000, s23;
	[tilespmem:s22+$0xE710] =	vst v5;
	v4 =	vld [tilespmem:s22+$0x67A0]  }
0x63: {  	v5 =	vld [tilespmem:s24+$0x67B0];
	[tilespmem:s22+$0xE720] =	vst v0  }
0x64: {  	v0 =	vld [tilespmem:s24+$0x6400];
	[tilespmem:s22+$0xE730] =	vst v1  }
0x65: {  	v1 =	vld [tilespmem:s24+$0x6410];
	[tilespmem:s22+$0xE780] =	vst v2  }
0x66: {  	v2 =	vld [tilespmem:s24+$0x6420];
	[tilespmem:s22+$0xE790] =	vst v3  }
0x67: {  	v3 =	vld [tilespmem:s24+$0x6430];
	[tilespmem:s22+$0xE7A0] =	vst v4  }
0x68: {  	v4 =	vld [tilespmem:s24+$0x6480];
	[tilespmem:s24+$0xE7B0] =	vst v5  }
0x69: {  	v38 =	vld [tilespmem:s24+$0x6490];
	[tilespmem:s24+$0xE400] =	vst v0  }
0x6a: {  	v39 =	vld [tilespmem:s24+$0x64A0];
	[tilespmem:s24+$0xE410] =	vst v1  }
0x6b: {  	v40 =	vld [tilespmem:s24+$0x64B0];
	[tilespmem:s24+$0xE420] =	vst v2  }
0x6c: {  	v41 =	vld [tilespmem:s24+$0x6500];
	[tilespmem:s24+$0xE430] =	vst v3  }
0x6d: {  	v42 =	vld [tilespmem:s24+$0x6510];
	[tilespmem:s24+$0xE480] =	vst v4  }
0x6e: {  	v43 =	vld [tilespmem:s24+$0x6520];
	[tilespmem:s24+$0xE490] =	vst v38  }
0x6f: {  	v44 =	vld [tilespmem:s24+$0x6530];
	[tilespmem:s24+$0xE4A0] =	vst v39  }
0x70: {  	v45 =	vld [tilespmem:s24+$0x6580];
	[tilespmem:s24+$0xE4B0] =	vst v40  }
0x71: {  	v46 =	vld [tilespmem:s24+$0x6590];
	[tilespmem:s24+$0xE500] =	vst v41  }
0x72: {  	v47 =	vld [tilespmem:s24+$0x65A0];
	[tilespmem:s24+$0xE510] =	vst v42  }
0x73: {  	v48 =	vld [tilespmem:s24+$0x65B0];
	[tilespmem:s24+$0xE520] =	vst v43  }
0x74: {  	v49 =	vld [tilespmem:s24+$0x6600];
	[tilespmem:s24+$0xE530] =	vst v44  }
0x75: {  	v50 =	vld [tilespmem:s24+$0x6610];
	[tilespmem:s24+$0xE580] =	vst v45  }
0x76: {  	v51 =	vld [tilespmem:s24+$0x6620];
	[tilespmem:s24+$0xE590] =	vst v46  }
0x77: {  	v52 =	vld [tilespmem:s24+$0x6630];
	[tilespmem:s24+$0xE5A0] =	vst v47  }
0x78: {  	v53 =	vld [tilespmem:s24+$0x6680];
	[tilespmem:s24+$0xE5B0] =	vst v48  }
0x79: {  	v54 =	vld [tilespmem:s24+$0x6690];
	[tilespmem:s24+$0xE600] =	vst v49  }
0x7a: {  	v55 =	vld [tilespmem:s24+$0x66A0];
	[tilespmem:s24+$0xE610] =	vst v50  }
0x7b: {  	v56 =	vld [tilespmem:s24+$0x66B0];
	[tilespmem:s24+$0xE620] =	vst v51  }
0x7c: {  	v57 =	vld [tilespmem:s24+$0x6700];
	[tilespmem:s24+$0xE630] =	vst v52  }
0x7d: {  	v58 =	vld [tilespmem:s24+$0x6710];
	[tilespmem:s24+$0xE680] =	vst v53  }
0x7e: {  	v59 =	vld [tilespmem:s24+$0x6720];
	[tilespmem:s24+$0xE690] =	vst v54  }
0x7f: {  	v60 =	vld [tilespmem:s24+$0x6730];
	[tilespmem:s24+$0xE6A0] =	vst v55  }
0x80: {  	v61 =	vld [tilespmem:s24+$0x6780];
	[tilespmem:s24+$0xE6B0] =	vst v56  }
0x81: {  	v62 =	vld [tilespmem:s24+$0x6790];
	[tilespmem:s24+$0xE700] =	vst v57  }
0x82: {  	v63 =	vld [tilespmem:s24+$0x67A0];
	[tilespmem:s24+$0xE710] =	vst v58  }
0x83: {  	p1 =	sne.s32 s20, $0x63;
	[tilespmem:s24+$0xE720] =	vst v59  }
.Ltmp3:
0x84: {  	s31 =	sshll.u32 s20, $0xF;
	[tilespmem:s24+$0xE730] =	vst v60;
	(pc) =	sbr.rel @p1 .LBB2_6-.Ltmp3, $4  }
0x85: {  	s22 =	sadd.s32 s6, s31;
	[tilespmem:s24+$0xE780] =	vst v61  }
0x86: {  	s22 =	sshrl.u32 s22, $0x3;
	[tilespmem:s24+$0xE790] =	vst v62  }
0x87: {  	s22 =	sadd.s32 s4, s22;
	[tilespmem:s24+$0xE7A0] =	vst v63  }
0x88: {  	[hbm4b:s22+s2] =	stream.linear.scatter [tilespmem:s14], [sflag:$0x3], $0x4000, $0x38;
	[tilespmem:$0x16400] =	vst v63  }
.Ltmp4:
0x89: {  	(pc) =	sbr.rel .LBB2_7-.Ltmp4, $4  }
0x8a: {  	_ = 	snop  }
0x8b: {  	_ =	swait.ge [sflag:s15], $0x4000  }
0x8c: {  	[sflag:s15] =	ssyncset.done $0x0  }
0x8d: {  	[sflag:s15] =	ssyncadd.s32 $0xFFFFC000  }
.LBB2_6:
0x8e: {  	s22 =	sshrl.u32 s21, $0x2  }
.Ltmp5:
0x8f: {  	s22 =	sadd.s32 $0x100, s22;
	(pc) =	sbr.rel @p0 .LBB2_8-.Ltmp5, $4  }
0x90: {  	[tilespmem:s11], [sflag:$0x1] =	stream.indirect.gather [hbm4b:s3+s10], $0x80, s22, s10, $0xb8;
	[tilespmem:$0x16400] =	vst v63  }
0x91: {  	_ =	swait.ge [sflag:s15], $0x4000  }
0x92: {  	[sflag:s15] =	ssyncset.done $0x0  }
0x93: {  	[sflag:s15] =	ssyncadd.s32 $0xFFFFC000  }
.LBB2_7:
0x94: {  	_ =	swait.ge [sflag:s16], $0x4000  }
0x95: {  	[sflag:s16] =	ssyncset.done $0x0  }
0x96: {  	[sflag:s16] =	ssyncadd.s32 $0xFFFFC000  }
.LBB2_8:
0x97: {  	s22 =	simm.s32 $0x0  }
0x98: {  	v0 =	vld [tilespmem:s22+$0xA7B0]  }
0x99: {  	v1 =	vld [tilespmem:s22+$0xA400]  }
0x9a: {  	v2 =	vld [tilespmem:s22+$0xA410]  }
0x9b: {  	v3 =	vld [tilespmem:s22+$0xA420]  }
0x9c: {  	v4 =	vld [tilespmem:s22+$0xA430]  }
0x9d: {  	v5 =	vld [tilespmem:s22+$0xA480];
	[tilespmem:s22+$0x127B0] =	vst v0  }
0x9e: {  	[tilespmem:s22+$0x12400] =	vst v1;
	v0 =	vld [tilespmem:s22+$0xA490]  }
0x9f: {  	[tilespmem:s22+$0x12410] =	vst v2;
	v1 =	vld [tilespmem:s22+$0xA4A0]  }
0xa0: {  	[tilespmem:s22+$0x12420] =	vst v3;
	v2 =	vld [tilespmem:s22+$0xA4B0]  }
0xa1: {  	[tilespmem:s22+$0x12430] =	vst v4;
	v3 =	vld [tilespmem:s22+$0xA500]  }
0xa2: {  	[tilespmem:s22+$0x12480] =	vst v5;
	v4 =	vld [tilespmem:s22+$0xA510]  }
0xa3: {  	v5 =	vld [tilespmem:s22+$0xA710];
	[tilespmem:s22+$0x12490] =	vst v0  }
0xa4: {  	v0 =	vld [tilespmem:s22+$0xA520];
	[tilespmem:s22+$0x124A0] =	vst v1  }
0xa5: {  	v1 =	vld [tilespmem:s22+$0xA530];
	[tilespmem:s22+$0x124B0] =	vst v2  }
0xa6: {  	v2 =	vld [tilespmem:s22+$0xA580];
	[tilespmem:s22+$0x12500] =	vst v3  }
0xa7: {  	v3 =	vld [tilespmem:s22+$0xA590];
	[tilespmem:s22+$0x12510] =	vst v4  }
0xa8: {  	v4 =	vld [tilespmem:s22+$0xA5A0];
	[tilespmem:s22+$0x12710] =	vst v5  }
0xa9: {  	[tilespmem:s22+$0x12520] =	vst v0;
	v0 =	vld [tilespmem:s22+$0xA5B0]  }
0xaa: {  	[tilespmem:s22+$0x12530] =	vst v1;
	v1 =	vld [tilespmem:s22+$0xA600]  }
0xab: {  	[tilespmem:s22+$0x12580] =	vst v2;
	v2 =	vld [tilespmem:s22+$0xA610]  }
0xac: {  	[tilespmem:s22+$0x12590] =	vst v3;
	v3 =	vld [tilespmem:s22+$0xA620]  }
0xad: {  	[tilespmem:s22+$0x125A0] =	vst v4;
	v4 =	vld [tilespmem:s22+$0xA630]  }
0xae: {  	[tilespmem:s22+$0x125B0] =	vst v0;
	v0 =	vld [tilespmem:s22+$0xA680]  }
0xaf: {  	[tilespmem:s22+$0x12600] =	vst v1;
	v1 =	vld [tilespmem:s22+$0xA690]  }
0xb0: {  	[tilespmem:s22+$0x12610] =	vst v2;
	v2 =	vld [tilespmem:s22+$0xA6A0]  }
0xb1: {  	[tilespmem:s22+$0x12620] =	vst v3;
	v3 =	vld [tilespmem:s22+$0xA6B0]  }
0xb2: {  	[tilespmem:s22+$0x12630] =	vst v4;
	v4 =	vld [tilespmem:s22+$0xA700]  }
0xb3: {  	[tilespmem:s22+$0x12680] =	vst v0;
	v0 =	vld [tilespmem:s22+$0xA720]  }
0xb4: {  	[tilespmem:s22+$0x12690] =	vst v1;
	v1 =	vld [tilespmem:s22+$0xA730]  }
0xb5: {  	[tilespmem:s22+$0x126A0] =	vst v2;
	v2 =	vld [tilespmem:s22+$0xA780]  }
0xb6: {  	[tilespmem:s22+$0x126B0] =	vst v3;
	v3 =	vld [tilespmem:s22+$0xA790]  }
0xb7: {  	s24 =	simm.s32 $0x400;
	s23 =	simm.s32 $0x2000;
	[tilespmem:s22+$0x12700] =	vst v4;
	v4 =	vld [tilespmem:s22+$0xA7A0]  }
.LBB2_9:
0xb8: {  	p0 =	sne.s32 s23, $0xF000;
	v5 =	vld [tilespmem:s24+$0xA7B0];
	[tilespmem:s22+$0x12720] =	vst v0  }
0xb9: {  	v0 =	vld [tilespmem:s24+$0xA400];
	[tilespmem:s22+$0x12730] =	vst v1  }
0xba: {  	v1 =	vld [tilespmem:s24+$0xA410];
	[tilespmem:s22+$0x12780] =	vst v2  }
0xbb: {  	v2 =	vld [tilespmem:s24+$0xA420];
	[tilespmem:s22+$0x12790] =	vst v3  }
0xbc: {  	v3 =	vld [tilespmem:s24+$0xA430];
	[tilespmem:s22+$0x127A0] =	vst v4;
	s22 =	smov.u32 s24  }
0xbd: {  	v4 =	vld [tilespmem:s22+$0xA480];
	[tilespmem:s22+$0x127B0] =	vst v5  }
0xbe: {  	[tilespmem:s22+$0x12400] =	vst v0;
	v0 =	vld [tilespmem:s22+$0xA490]  }
0xbf: {  	[tilespmem:s22+$0x12410] =	vst v1;
	v1 =	vld [tilespmem:s22+$0xA4A0]  }
0xc0: {  	[tilespmem:s22+$0x12420] =	vst v2;
	v2 =	vld [tilespmem:s22+$0xA4B0]  }
0xc1: {  	[tilespmem:s22+$0x12430] =	vst v3;
	v3 =	vld [tilespmem:s22+$0xA500]  }
0xc2: {  	[tilespmem:s22+$0x12480] =	vst v4;
	v4 =	vld [tilespmem:s22+$0xA510]  }
0xc3: {  	[tilespmem:s22+$0x12490] =	vst v0;
	v0 =	vld [tilespmem:s22+$0xA520]  }
0xc4: {  	[tilespmem:s22+$0x124A0] =	vst v1;
	v1 =	vld [tilespmem:s22+$0xA530]  }
0xc5: {  	[tilespmem:s22+$0x124B0] =	vst v2;
	v2 =	vld [tilespmem:s22+$0xA580]  }
0xc6: {  	[tilespmem:s22+$0x12500] =	vst v3;
	v3 =	vld [tilespmem:s22+$0xA590]  }
0xc7: {  	[tilespmem:s22+$0x12510] =	vst v4;
	v4 =	vld [tilespmem:s22+$0xA5A0]  }
0xc8: {  	[tilespmem:s22+$0x12520] =	vst v0;
	v0 =	vld [tilespmem:s22+$0xA5B0]  }
0xc9: {  	[tilespmem:s22+$0x12530] =	vst v1;
	v1 =	vld [tilespmem:s22+$0xA600]  }
0xca: {  	[tilespmem:s22+$0x12580] =	vst v2;
	v2 =	vld [tilespmem:s22+$0xA610]  }
0xcb: {  	[tilespmem:s22+$0x12590] =	vst v3;
	v3 =	vld [tilespmem:s22+$0xA620]  }
0xcc: {  	[tilespmem:s22+$0x125A0] =	vst v4;
	v4 =	vld [tilespmem:s22+$0xA630]  }
0xcd: {  	[tilespmem:s22+$0x125B0] =	vst v0;
	v0 =	vld [tilespmem:s22+$0xA680]  }
0xce: {  	[tilespmem:s22+$0x12600] =	vst v1;
	v1 =	vld [tilespmem:s22+$0xA690]  }
0xcf: {  	[tilespmem:s22+$0x12610] =	vst v2;
	v2 =	vld [tilespmem:s22+$0xA6A0]  }
0xd0: {  	[tilespmem:s22+$0x12620] =	vst v3;
	v3 =	vld [tilespmem:s22+$0xA6B0]  }
0xd1: {  	[tilespmem:s22+$0x12630] =	vst v4;
	v4 =	vld [tilespmem:s22+$0xA700]  }
0xd2: {  	[tilespmem:s22+$0x12680] =	vst v0;
	v5 =	vld [tilespmem:s22+$0xA710]  }
.Ltmp6:
0xd3: {  	[tilespmem:s22+$0x12690] =	vst v1;
	v0 =	vld [tilespmem:s22+$0xA720];
	(pc) =	sbr.rel @p0 .LBB2_9-.Ltmp6, $4  }
0xd4: {  	[tilespmem:s22+$0x126A0] =	vst v2;
	v1 =	vld [tilespmem:s22+$0xA730]  }
0xd5: {  	[tilespmem:s22+$0x126B0] =	vst v3;
	v2 =	vld [tilespmem:s22+$0xA780]  }
0xd6: {  	[tilespmem:s22+$0x12700] =	vst v4;
	v3 =	vld [tilespmem:s22+$0xA790]  }
0xd7: {  	s24 =	sshra.s32 s23, $0x2;
	s23 =	sadd.s32 $0x1000, s23;
	[tilespmem:s22+$0x12710] =	vst v5;
	v4 =	vld [tilespmem:s22+$0xA7A0]  }
0xd8: {  	v5 =	vld [tilespmem:s24+$0xA7B0];
	[tilespmem:s22+$0x12720] =	vst v0  }
0xd9: {  	v0 =	vld [tilespmem:s24+$0xA400];
	[tilespmem:s22+$0x12730] =	vst v1  }
0xda: {  	v1 =	vld [tilespmem:s24+$0xA410];
	[tilespmem:s22+$0x12780] =	vst v2  }
0xdb: {  	v2 =	vld [tilespmem:s24+$0xA420];
	[tilespmem:s22+$0x12790] =	vst v3  }
0xdc: {  	v3 =	vld [tilespmem:s24+$0xA430];
	[tilespmem:s22+$0x127A0] =	vst v4  }
0xdd: {  	v4 =	vld [tilespmem:s24+$0xA480];
	[tilespmem:s24+$0x127B0] =	vst v5  }
0xde: {  	v38 =	vld [tilespmem:s24+$0xA490];
	[tilespmem:s24+$0x12400] =	vst v0  }
0xdf: {  	v39 =	vld [tilespmem:s24+$0xA4A0];
	[tilespmem:s24+$0x12410] =	vst v1  }
0xe0: {  	v40 =	vld [tilespmem:s24+$0xA4B0];
	[tilespmem:s24+$0x12420] =	vst v2  }
0xe1: {  	v41 =	vld [tilespmem:s24+$0xA500];
	[tilespmem:s24+$0x12430] =	vst v3  }
0xe2: {  	v42 =	vld [tilespmem:s24+$0xA510];
	[tilespmem:s24+$0x12480] =	vst v4  }
0xe3: {  	v43 =	vld [tilespmem:s24+$0xA520];
	[tilespmem:s24+$0x12490] =	vst v38  }
0xe4: {  	v44 =	vld [tilespmem:s24+$0xA530];
	[tilespmem:s24+$0x124A0] =	vst v39  }
0xe5: {  	v45 =	vld [tilespmem:s24+$0xA580];
	[tilespmem:s24+$0x124B0] =	vst v40  }
0xe6: {  	v46 =	vld [tilespmem:s24+$0xA590];
	[tilespmem:s24+$0x12500] =	vst v41  }
0xe7: {  	v47 =	vld [tilespmem:s24+$0xA5A0];
	[tilespmem:s24+$0x12510] =	vst v42  }
0xe8: {  	v48 =	vld [tilespmem:s24+$0xA5B0];
	[tilespmem:s24+$0x12520] =	vst v43  }
0xe9: {  	v49 =	vld [tilespmem:s24+$0xA600];
	[tilespmem:s24+$0x12530] =	vst v44  }
0xea: {  	v50 =	vld [tilespmem:s24+$0xA610];
	[tilespmem:s24+$0x12580] =	vst v45  }
0xeb: {  	v51 =	vld [tilespmem:s24+$0xA620];
	[tilespmem:s24+$0x12590] =	vst v46  }
0xec: {  	v52 =	vld [tilespmem:s24+$0xA630];
	[tilespmem:s24+$0x125A0] =	vst v47  }
0xed: {  	v53 =	vld [tilespmem:s24+$0xA680];
	[tilespmem:s24+$0x125B0] =	vst v48  }
0xee: {  	v54 =	vld [tilespmem:s24+$0xA690];
	[tilespmem:s24+$0x12600] =	vst v49  }
0xef: {  	v55 =	vld [tilespmem:s24+$0xA6A0];
	[tilespmem:s24+$0x12610] =	vst v50  }
0xf0: {  	v56 =	vld [tilespmem:s24+$0xA6B0];
	[tilespmem:s24+$0x12620] =	vst v51  }
0xf1: {  	v57 =	vld [tilespmem:s24+$0xA700];
	[tilespmem:s24+$0x12630] =	vst v52  }
0xf2: {  	v58 =	vld [tilespmem:s24+$0xA710];
	[tilespmem:s24+$0x12680] =	vst v53  }
0xf3: {  	v59 =	vld [tilespmem:s24+$0xA720];
	[tilespmem:s24+$0x12690] =	vst v54  }
0xf4: {  	v60 =	vld [tilespmem:s24+$0xA730];
	[tilespmem:s24+$0x126A0] =	vst v55  }
0xf5: {  	v61 =	vld [tilespmem:s24+$0xA780];
	[tilespmem:s24+$0x126B0] =	vst v56  }
0xf6: {  	v62 =	vld [tilespmem:s24+$0xA790];
	[tilespmem:s24+$0x12700] =	vst v57  }
0xf7: {  	v63 =	vld [tilespmem:s24+$0xA7A0];
	[tilespmem:s24+$0x12710] =	vst v58  }
0xf8: {  	p0 =	seq.s32 s20, $0x63;
	[tilespmem:s24+$0x12720] =	vst v59  }
.Ltmp7:
0xf9: {  	[tilespmem:s24+$0x12730] =	vst v60;
	(pc) =	sbr.rel @p0 .LBB2_12-.Ltmp7, $4  }
0xfa: {  	[tilespmem:s24+$0x12780] =	vst v61  }
0xfb: {  	s31 =	sshll.u32 s20, $0xC;
	[tilespmem:s24+$0x12790] =	vst v62  }
0xfc: {  	s22 =	sadd.s32 s8, s31;
	[tilespmem:s24+$0x127A0] =	vst v63  }
0xfd: {  	[hbm4b:s22+s2] =	stream.linear.scatter [tilespmem:s17], [sflag:$0x4], $0x4000, $0x38;
	[tilespmem:$0x16400] =	vst v63  }
.Ltmp8:
0xfe: {  	(pc) =	sbr.rel .LBB2_2-.Ltmp8, $4  }
0xff: {  	_ = 	snop  }
0x100: {  	s21 =	sshrl.u32 s21, $0x2  }
0x101: {  	s20 =	sadd.s32 $0x1, s20;
	s21 =	sadd.s32 $0x180, s21  }
0x102: {  	[tilespmem:s12], [sflag:$0x2] =	stream.indirect.gather [hbm4b:s3+s10], $0x80, s21, s10, $0xb8;
	[tilespmem:$0x16400] =	vst v63  }
.LBB2_13:
0x103: {  	_ =	sfence.sel $0x180000  }
0x104: {  	[bflag:$0x0] =	sbarrier.arrive $0xFFFF  }
0x105: {  	p0 =	sne.s32 s1, $0x0;
	_ =	strace $0x90000047  }
0x106: {  	s0 =	sadd.s32 @!p0 $0x100000, s0;
	[bflag:$0x2] =	sbarrier.arrive $0xFFFF  }
0x107: {  	[sflag:s0] =	ssyncadd.tile.s32 @!p0 $0x1;
	_ =	shalt  }
.Lfunc_end2:
_tile_overlayer_lowered:
.L_overlay_start_2:
0x108: {  	(tag) =	ssettag $0x2  }
0x109: {  	s0 =	rddreg [dreg:$0x0];
	s2 =	stileid.u32  }
0x10a: {  	s1 =	rddreg [dreg:$0x1];
	p0 =	sne.s32 s2, $0x0  }
0x10b: {  	s3 =	rddreg [dreg:$0x2];
	[bflag:$0x3] =	sbarrier.arrive $0xFFFF;
	s2 =	simm.s32 @!p0 $0x1C05  }
0x10c: {  	[timem:s3], [sflag:s2] =	dma.local @!p0 [hbm:s0], s1  }
0x10d: {  	s0 =	simm.s32 @!p0 $0x5  }
0x10e: {  	_ =	swait.ge @!p0 [sflag:s0], s1  }
0x10f: {  	s1 =	ssub.s32 @!p0 $0x0, s1;
	[sflag:s0] =	ssyncset.done @!p0 $0x0  }
0x110: {  	[sflag:s0] =	ssyncadd.s32 @!p0 s1  }
0x111: {  	[bflag:$0x3] =	sbarrier.arrive $0xFFFF  }
0x112: {  	_ =	shalt  }

// kernel: sparse-core-data-format-call.cloned.1.call-start
scs
called_computation_lowered:
.L_overlay_start_0:
0x0: {  	s2 =	sld [smem:$0x3FD9]  }
0x1: {  	s3 =	sld [smem:$0x3FFE];
	_ =	sdelay $0x1  }
0x2: {  	s1 =	srdreg.scid  }
0x3: {  	s0 =	sand.u32 $0x1, s1  }
0x4: {  	s18 =	sshll.u32 s0, $0xA;
	s2 =	sadd.s32 s3, s2  }
0x5: {  	s2 =	sadd.s32 s2, s18  }
0x6: {  	[smem:$0x3FC6] =	sst s2  }
0x7: {  	_ = 	snop  }
0x8: {  	s2 =	sld [smem:$0x3FD0];
	(tm) =	ssettm $0x1  }
0x9: {  	s19 =	sld [smem:$0x3FFB];
	_ =	sdelay $0x3  }
0xa: {  	_ =	strace s19  }
0xb: {  	s3 =	sld [smem:$0x3FFC];
	_ =	sdelay $0x3  }
0xc: {  	_ =	strace s3  }
0xd: {  	s3 =	sld [smem:$0x3FFD];
	_ =	sdelay $0x3  }
0xe: {  	_ =	strace s3  }
0xf: {  	_ =	strace $0x8FFFFFFF  }
0x10: {  	s20 =	sld [smem:$0x3FDB];
	_ =	sdelay $0x1  }
0x11: {  	s4 =	simm.s32 $_scs_section_size  }
0x12: {  	s5 =	simm.s32 $_size__tile_overlayer_lowered;
	s6 =	simm.s32 $_tile_overlayer_lowered  }
0x13: {  	s23 =	simm.s32 $0x1BFF;
	s22 =	sshll.u32 s6, $0x1;
	s3 =	sadd.s32 s4, s20  }
0x14: {  	s7 =	simm.s32 $0x0;
	s21 =	sshll.u32 s5, $0x1;
	s5 =	sadd.s32 s22, s3  }
0x15: {  	[timem:s7], [sflag:s23] =	dma.local [hbm:s5], s21  }
0x16: {  	_ =	swait.ge [sflag:s23], s21  }
0x17: {  	s4 =	ssub.s32 $0x0, s21;
	[sflag:s23] =	ssyncset.done $0x0  }
0x18: {  	[sflag:s23] =	ssyncadd.s32 s4;
	_ =	sdelay $0x1  }
0x19: {  	s24 =	simm.s32 $0x1B8B  }
0x1a: {  	_ =	swait.ge [sflag:s24], $0x1  }
0x1b: {  	[sflag:s24] =	ssyncset.done $0x0  }
0x1c: {  	s26 =	simm.s32 $0x1B8E;
	s25 =	sld [smem:$0x3FFE];
	[sflag:s24] =	ssyncadd.s32 $0xFFFFFFFF  }
0x1d: {  	s27 =	simm.s32 $execute0_lowered;
	[smem:$0x3FD2] =	sst s26  }
0x1e: {  	s5 =	sshll.u32 s27, $0x1;
	_ =	strace $0x80000049;
	[dreg:$0x1] =	wrdreg $0xFFFFFFFF  }
0x1f: {  	s28 =	simm.s32 $_size_execute0_lowered;
	s3 =	sadd.s32 s3, s5;
	[dreg:$0x0] =	wrdreg $0x0  }
0x20: {  	s5 =	sshll.u32 s28, $0x1;
	[dreg:$0x2] =	wrdreg s3  }
0x21: {  	[dreg:$0x3] =	wrdreg s5  }
0x22: {  	[dreg:$0x4] =	wrdreg $0xC0  }
0x23: {  	_ =	task [dreg:s7], $0x5FFFF  }
0x24: {  	[dreg:$0x1] =	wrdreg $0xFFFFFFFF  }
0x25: {  	[dreg:$0x0] =	wrdreg $0x60  }
0x26: {  	[dreg:$0x2] =	wrdreg s25  }
0x27: {  	[dreg:$0x3] =	wrdreg s2  }
0x28: {  	[dreg:$0x4] =	wrdreg $0x9  }
0x29: {  	_ =	task.clear_ibuf [dreg:s7], $0x5FFFF;
	_ =	strace $0x90000049  }
0x2a: {  	s29 =	simm.s32 $0x9;
	_ =	strace $0x8000004B  }
0x2b: {  	_ =	swait.ge [sflag:s29], $0x1  }
0x2c: {  	[sflag:s29] =	ssyncadd.s32 $0xFFFFFFFF  }
0x2d: {  	_ =	strace $0x9000004B  }
0x2e: {  	_ =	sfence  }
0x2f: {  	s30 =	sld [smem:$0x0];
	_ =	sdelay $0x2  }
0x30: {  	s31 =	sshll.u32 s1, $0xD;
	s1 =	sshrl.u32 s1, $0x2  }
0x31: {  	s3 =	sand.u32 $0x4000, s31;
	s1 =	sadd.s32 s1, s30  }
0x32: {  	s0 =	sor.u32 s3, s0;
	s1 =	sshll.u32 s1, $0x11  }
0x33: {  	s0 =	sor.u32 s1, s0  }
0x34: {  	s0 =	sadd.s32 $0x8F2B, s0  }
0x35: {  	[sflag:s0] =	ssyncadd.remote.s32 $0x1  }
0x36: {  	_ =	sfence.sel $0xFFFF  }
0x37: {  	[dreg:$0x0] =	wrdreg $0xFFFFFFFF;
	(pc) =	sbr.abs _section_cstart, $3  }
0x38: {  	[dreg:$0x1] =	wrdreg $0xFFFFFFFF  }
0x39: {  	_ =	task.clear_ibuf [dreg:s7], $0x2FFFF;
	_ =	strace $0x9FFFFFFF  }
0x3a: {  	(tm) =	ssettm $0x7FFFFFFF  }
0x3b: {  	_ =	shalt  }
tec
execute0_lowered:
.L_overlay_start_1:
0x0: {  	(tag) =	ssettag $0x1  }
0x1: {  	s0 =	srdreg.scid  }
0x2: {  	s1 =	sshll.u32 s0, $0x4  }
0x3: {  	s0 =	stileid.u32;
	s1 =	sand.u32 $0x10, s1  }
0x4: {  	s1 =	sor.u32 s0, s1  }
0x5: {  	s6 =	rddreg [dreg:$0x0];
	s4 =	simm.s32 $0x1;
	s2 =	sshll.u32 s1, $0x7  }
0x6: {  	s7 =	simm.s32 $0x2;
	s12 =	simm.s32 $0x0;
	s1 =	ssub.s32 $0x1000, s2  }
0x7: {  	s8 =	simm.s32 $0x8000;
	s13 =	simm.s32 $0x0;
	s3 =	sand.u32 $0xF80, s1  }
0x8: {  	s9 =	simm.s32 $0x0;
	s5 =	sshrl.u32 s1, $0xC;
	p0 =	sne.s32 s3, $0x0  }
.Ltmp0:
0x9: {  	s1 =	rddreg [dreg:$0x2];
	s4 =	simm.s32 @!p0 $0x0;
	(pc) =	sbr.rel .LBB1_1-.Ltmp0, $4  }
0xa: {  	s11 =	simm.s32 $0x0;
	s3 =	rddreg [dreg:$0x1];
	s5 =	sadd.s32 s4, s5  }
0xb: {  	_ =	strace $0x8000004A;
	s4 =	simm.s32 $0x1;
	s5 =	smul.u32 $0xC8, s5  }
0xc: {  	s6 =	sadd.s32 $0xA00, s6;
	s10 =	smov.u32 s2;
	[sflag:s4] =	ssyncpa.u1 $0x0  }
0xd: {  	p0 =	por $0x0, $0x0;
	[sflag:s7] =	ssyncpa.u1 $0x0;
	s7 =	sor.u32 $0x1, s5  }
.LBB1_4:
0xe: {  	s16 =	sshll.u32 s13, $0x3;
	s17 =	sand.u32 $0x78, s13  }
0xf: {  	s30 =	sand.u32 $0x7E00, s13;
	s12 =	sshll.u32 s12, $0xF;
	s16 =	sand.u32 $0xC00, s16  }
0x10: {  	[tilespmem:s15+$0x810 ss:$0x81] =	vst.msk $0xffff, v2;
	s31 =	sand.u32 $0x7, s13;
	s16 =	sor.u32 s17, s16;
	s17 =	sadd.s32 s3, s30  }
0x11: {  	[tilespmem:s15+$0x1020 ss:$0x81] =	vst.msk $0xffff, v0;
	s13 =	sshll.u32 s31, $0x12;
	s12 =	sadd.s32 s12, s17;
	s16 =	sshrl.u32 s16, $0x3  }
0x12: {  	[tilespmem:s15+$0x0 ss:$0x81] =	vst.msk $0xffff, v1;
	s13 =	sor.u32 $0x400, s13;
	s12 =	sadd.s32 s16, s12  }
0x13: {  	[hbm4b:s12+s13] =	stream.strided.scatter [tilespmem:s14], [sflag:$0x2], $0x2000, s8, s13, $0x20;
	[tilespmem:$0x8080] =	vst v63  }
.LBB1_5:
0x14: {  	s14 =	sadd.s32 $0x1, s9  }
0x15: {  	s12 =	sadd.s32 $0x1000, s10;
	s16 =	smov.u32 s10;
	p2 =	sgt.s32 s14, $0xC7  }
0x16: {  	s16 =	smov.u32 @p2 s12  }
0x17: {  	s14 =	simm.s32 @p2 $0x0;
	p2 =	sgt.s32 s16, $0xFFF  }
0x18: {  	s16 =	smov.u32 @p2 s2;
	p2 =	sne.s32 s11, s7  }
.Ltmp1:
0x19: {  	p1 =	slt.u32 s11, $0x2;
	(pc) =	sbr.rel @!p2 .LBB1_6-.Ltmp1, $4  }
0x1a: {  	s15 =	simm.s32 @!p1 $0x2  }
0x1b: {  	s13 =	smov.u32 s10;
	p0 =	por !p0, !p0;
	_ =	swait.ge @!p1 [sflag:s15], $0x2000  }
0x1c: {  	s12 =	smov.u32 s9;
	[sflag:s15] =	ssyncset.done @!p1 $0x0;
	s9 =	smov.u32 s14  }
0x1d: {  	s11 =	sadd.s32 $0x1, s11;
	[sflag:s15] =	ssyncadd.s32 @!p1 $0xFFFFE000;
	s10 =	smov.u32 s16  }
.LBB1_1:
0x1e: {  	p1 =	sge.u32 s11, s5  }
0x1f: {  	s14 =	sand.u32 @!p1 $0x1FFFFFF, s9  }
0x20: {  	s15 =	smulhi.u32 @!p1 $0x147AE15, s14;
	_ =	sdelay $0x1  }
0x21: {  	s15 =	smul.u32 @!p1 $0xC8, s15  }
0x22: {  	s16 =	sxor.u32 @!p1 $0xFFFFFFFF, s11;
	s17 =	smul.u32 @!p1 $0xC80, s10  }
0x23: {  	s31 =	sadd.s32 $0xFFFFFFFF, s11;
	s16 =	sshll.u32 @!p1 s16, $0xD;
	s14 =	ssub.s32 @!p1 s14, s15  }
0x24: {  	s15 =	sand.u32 @!p1 $0x2000, s16;
	s16 =	sadd.s32 @!p1 s6, s17;
	s14 =	sshll.u32 @!p1 s14, $0x4  }
0x25: {  	s17 =	simm.s32 @!p1 $0x6400;
	s14 =	sadd.s32 @!p1 s14, s16;
	s16 =	simm.s32 @!p1 $0x40  }
0x26: {  	[tilespmem:s15], [sflag:$0x1] =	stream.strided.gather @!p1 [hbm4b:s14+s16], $0x2000, s17, s16, $0x38;
	[tilespmem:$0x8080] =	vst v63  }
0x27: {  	p1 =	sge.u32 s31, s5  }
.Ltmp2:
0x28: {  	_ = 	snop;
	(pc) =	sbr.rel @p1 .LBB1_5-.Ltmp2, $1  }
0x29: {  	_ =	sdelay $0x3  }
0x2a: {  	s14 =	simm.s32 $0x1  }
0x2b: {  	_ =	swait.ge [sflag:s4], $0x2000;
	s14 =	simm.s32 @!p0 $0x0  }
0x2c: {  	[sflag:s4] =	ssyncset.done $0x0;
	s15 =	sshll.u32 s14, $0xD  }
0x2d: {  	[sflag:s4] =	ssyncadd.s32 $0xFFFFE000;
	s18 =	sor.u32 $0x20, s15  }
0x2e: {  	s14 =	smul.u32 $0x8100, s14;
	v3 =	vld [tilespmem:s18+$0x10]  }
0x2f: {  	s30 =	sand.u32 $0x1, s11;
	v2 =	vld [tilespmem:s18+$0xFFFFFFF0]  }
0x30: {  	s15 =	smul.u32 $0x8100, s30;
	s14 =	sshrl.u32 s14, $0x2;
	v0 =	vld [tilespmem:s18+$0x0]  }
0x31: {  	v1 =	vld [tilespmem:s18+$0xFFFFFFE0];
	s16 =	sor.u32 $0x4000, s14  }
0x32: {  	s31 =	sshrl.u32 s15, $0x2;
	s15 =	sadd.s32 $0x0, s16  }
0x33: {  	s17 =	simm.s32 $0x4;
	s18 =	sadd.s32 $0x40, s18;
	s14 =	sor.u32 $0x4000, s31;
	[tilespmem:s15+$0x1830 ss:$0x81] =	vst.msk $0xffff, v3  }
.LBB1_3:
0x34: {  	v3 =	vld [tilespmem:s18+$0x10];
	p1 =	sne.s32 s17, $0x1FC;
	[tilespmem:s15+$0x810 ss:$0x81] =	vst.msk $0xffff, v2;
	s19 =	smov.u32 s17;
	s17 =	sadd.s32 $0x4, s17  }
.Ltmp3:
0x35: {  	v2 =	vld [tilespmem:s18+$0xFFFFFFF0];
	[tilespmem:s15+$0x1020 ss:$0x81] =	vst.msk $0xffff, v0;
	(pc) =	sbr.rel @p1 .LBB1_3-.Ltmp3, $4  }
0x36: {  	v0 =	vld [tilespmem:s18+$0x0];
	[tilespmem:s15+$0x0 ss:$0x81] =	vst.msk $0xffff, v1  }
0x37: {  	s15 =	sshra.s32 s19, $0x2;
	v1 =	vld [tilespmem:s18+$0xFFFFFFE0]  }
0x38: {  	s15 =	sadd.s32 s15, s16  }
0x39: {  	s18 =	sadd.s32 $0x40, s18;
	[tilespmem:s15+$0x1830 ss:$0x81] =	vst.msk $0xffff, v3  }
.Ltmp4:
0x3a: {  	_ = 	snop;
	(pc) =	sbr.rel .LBB1_4-.Ltmp4, $1  }
0x3b: {  	_ =	sdelay $0x3  }
.LBB1_6:
0x3c: {  	_ =	sfence.sel $0x180000  }
0x3d: {  	s2 =	simm.s32 $0x1;
	[bflag:$0x0] =	sbarrier.arrive $0xFFFF  }
0x3e: {  	s31 =	simm.s32 $0x2;
	[sflag:s2] =	ssyncpa.u1 $0x1  }
0x3f: {  	[sflag:s31] =	ssyncpa.u1 $0x1  }
0x40: {  	p0 =	sne.s32 s0, $0x0;
	_ =	strace $0x9000004A  }
0x41: {  	s0 =	sadd.s32 @!p0 $0x100000, s1;
	[bflag:$0x2] =	sbarrier.arrive $0xFFFF  }
0x42: {  	[sflag:s0] =	ssyncadd.tile.s32 @!p0 $0x1;
	_ =	shalt  }
.Lfunc_end1:
_tile_overlayer_lowered:
.L_overlay_start_2:
0x43: {  	(tag) =	ssettag $0x2  }
0x44: {  	s0 =	rddreg [dreg:$0x0];
	s2 =	stileid.u32  }
0x45: {  	s1 =	rddreg [dreg:$0x1];
	p0 =	sne.s32 s2, $0x0  }
0x46: {  	s3 =	rddreg [dreg:$0x2];
	[bflag:$0x3] =	sbarrier.arrive $0xFFFF;
	s2 =	simm.s32 @!p0 $0x1C01  }
0x47: {  	[timem:s3], [sflag:s2] =	dma.local @!p0 [hbm:s0], s1  }
0x48: {  	s0 =	simm.s32 @!p0 $0x1  }
0x49: {  	_ =	swait.ge @!p0 [sflag:s0], s1  }
0x4a: {  	s1 =	ssub.s32 @!p0 $0x0, s1;
	[sflag:s0] =	ssyncset.done @!p0 $0x0  }
0x4b: {  	[sflag:s0] =	ssyncadd.s32 @!p0 s1  }
0x4c: {  	[bflag:$0x3] =	sbarrier.arrive $0xFFFF  }
0x4d: {  	_ =	shalt  }

</sc_bundles>
